<compile_context>
chip_gen: v7x
topology: tpu7x:2x2x1
jax: 0.10.2.dev20260603
libtpu: 0.0.44.dev20260713+nightly
codegen_flags: <defaults>
</compile_context>

<pallas_src>
import functools

import jax
import jax.numpy as jnp
from jax import lax
from jax.experimental import pallas as pl
from jax.experimental.pallas import tpu as pltpu
from jax.experimental.pallas import tpu_sc as plsc

B = 32
N = 100000
NP = 100352
F = 16
TOPK = 32
LANES = 128
GROUPS = LANES // F
NR = N // GROUPS
RB = 64
CBLK = 2048

SCCHUNK = NP // 8
VPC = SCCHUNK // 16
UNROLL = 8
NEG = float("-inf")



WBLK = 2048


def _fa_ca_body(q_ref, ct_ref, fa_ref, ca_ref):
    acc = jnp.zeros((B, WBLK), jnp.float32)
    for f in range(F):
        qf = q_ref[:, f:f + 1]
        cf = ct_ref[f:f + 1, :]
        slab = jnp.exp(-jnp.abs(qf - cf))
        fa_ref[:, f:f + 1, :] = slab[:, None, :]
        acc = acc + slab
    ca = acc * (1.0 / F)
    i = pl.program_id(0)
    gcol = i * WBLK + lax.broadcasted_iota(jnp.int32, (B, WBLK), 1)
    ca_ref[...] = jnp.where(gcol < N, ca, 0.0)


def _fa_ca(query, casesT):
    grid = NP // WBLK
    return pl.pallas_call(
        _fa_ca_body,
        grid=(grid,),
        in_specs=[
            pl.BlockSpec((B, F), lambda i: (0, 0)),
            pl.BlockSpec((F, WBLK), lambda i: (0, i)),
        ],
        out_specs=[
            pl.BlockSpec((B, F, WBLK), lambda i: (0, 0, i)),
            pl.BlockSpec((B, WBLK), lambda i: (0, i)),
        ],
        out_shape=[
            jax.ShapeDtypeStruct((B, F, N), jnp.float32),
            jax.ShapeDtypeStruct((B, NP), jnp.float32),
        ],
    )(query, casesT)



def _merge(tk0, tv0, tk1, tv1, ck, cv):
    ck, cv = plsc.sort_key_val(ck, cv, descending=True)
    rk = lax.rev(tk1, (0,))
    rv = lax.rev(tv1, (0,))
    m1 = ck > rk
    hk = jnp.where(m1, ck, rk)
    hv = jnp.where(m1, cv, rv)
    hk, hv = plsc.sort_key_val(hk, hv, descending=True)
    rhk = lax.rev(hk, (0,))
    rhv = lax.rev(hv, (0,))
    m2 = tk0 >= rhk
    ak = jnp.where(m2, tk0, rhk)
    av = jnp.where(m2, tv0, rhv)
    bk = jnp.where(m2, rhk, tk0)
    bv = jnp.where(m2, rhv, tv0)
    nk0, nv0 = plsc.sort_key_val(ak, av, descending=True)
    nk1, nv1 = plsc.sort_key_val(bk, bv, descending=True)
    return nk0, nv0, nk1, nv1


def _topk_kernel_body(ca_hbm, lab_hbm, out_hbm, buf, idxbuf, labbuf, outbuf,
                      gsem):
    c = lax.axis_index("c")
    s = lax.axis_index("s")
    row = s * 2 + c
    slab0 = pl.multiple_of((row // 8) * 8, 8)
    rloc = row % 8

    lane = lax.iota(jnp.int32, 16)
    t0k = jnp.full((16,), NEG, jnp.float32)
    t0v = jnp.zeros((16,), jnp.int32)
    t1k = jnp.full((16,), NEG, jnp.float32)
    t1v = jnp.zeros((16,), jnp.int32)
    thresh = jnp.float32(NEG)

    def chunk_body(k, carry):
        t0k, t0v, t1k, t1v, thresh = carry
        pltpu.sync_copy(
            ca_hbm.at[pl.ds(slab0, 8), pl.ds(k * SCCHUNK, SCCHUNK)], buf)
        base0 = k * SCCHUNK

        def vec_group(j, carry):
            t0k, t0v, t1k, t1v, thresh = carry
            vs = [buf[rloc, pl.ds((j * UNROLL + u) * 16, 16)]
                  for u in range(UNROLL)]
            gmax = vs[0]
            for u in range(1, UNROLL):
                gmax = jnp.maximum(gmax, vs[u])

            def slow(t0k, t0v, t1k, t1v, thresh):
                for u in range(UNROLL):
                    v = vs[u]
                    m = v > thresh
                    ck = jnp.where(m, v, NEG)
                    cv = base0 + (j * UNROLL + u) * 16 + lane
                    t0k, t0v, t1k, t1v = _merge(t0k, t0v, t1k, t1v, ck, cv)
                    thresh = jnp.min(t1k)
                return t0k, t0v, t1k, t1v, thresh

            def fast(t0k, t0v, t1k, t1v, thresh):
                return t0k, t0v, t1k, t1v, thresh

            return lax.cond(jnp.any(gmax > thresh), slow, fast,
                            t0k, t0v, t1k, t1v, thresh)

        return lax.fori_loop(0, VPC // UNROLL, vec_group,
                             (t0k, t0v, t1k, t1v, thresh))

    t0k, t0v, t1k, t1v, thresh = lax.fori_loop(
        0, 8, chunk_body, (t0k, t0v, t1k, t1v, thresh))

    idxbuf[pl.ds(0, 16)] = t0v
    idxbuf[pl.ds(16, 16)] = t1v
    pltpu.async_copy(lab_hbm.at[idxbuf], labbuf, gsem).wait()
    l0 = labbuf[pl.ds(0, 16)]
    l1 = labbuf[pl.ds(16, 16)]
    kth = jnp.min(t1k)
    denom = jnp.sum(t0k) + jnp.sum(t1k)
    sumlab = jnp.sum(l0) + jnp.sum(l1)
    dot = jnp.sum(t0k * l0) + jnp.sum(t1k * l1)
    recipv = 1.0 / (jnp.broadcast_to(denom, (16,)) + 1e-10)
    predv = jnp.broadcast_to(dot, (16,)) * recipv
    outv = jnp.where(lane == 0, jnp.broadcast_to(kth, (16,)),
           jnp.where(lane == 1, jnp.broadcast_to(sumlab * (1.0 / 32.0), (16,)),
           jnp.where(lane == 2, predv,
           jnp.where(lane == 3, recipv, 0.0))))
    outbuf[...] = outv
    pltpu.sync_copy(outbuf, out_hbm.at[pl.ds(row * 16, 16)])


def _topk_stats(ca2d, labels):
    mesh = plsc.VectorSubcoreMesh(core_axis_name="c", subcore_axis_name="s")
    f = pl.kernel(
        _topk_kernel_body,
        out_type=jax.ShapeDtypeStruct((B * 16,), jnp.float32),
        mesh=mesh,
        scratch_types=[
            pltpu.VMEM((8, SCCHUNK), jnp.float32),
            pltpu.VMEM((2 * 16,), jnp.int32),
            pltpu.VMEM((2 * 16,), jnp.float32),
            pltpu.VMEM((16,), jnp.float32),
            pltpu.SemaphoreType.DMA,
        ],
        compiler_params=pltpu.CompilerParams(needs_layout_passes=False),
    )
    return f(ca2d, labels).reshape(B, 16)



def _sm_body(ca_ref, thr_ref, rec_ref, sm_ref):
    ca = ca_ref[...]
    thr = thr_ref[...]
    rec = rec_ref[...]
    sm_ref[...] = jnp.where(ca >= thr, ca, 0.0) * rec


def _sm(ca2d, thr, rec):
    grid = NP // CBLK
    return pl.pallas_call(
        _sm_body,
        grid=(grid,),
        in_specs=[
            pl.BlockSpec((B, CBLK), lambda i: (0, i)),
            pl.BlockSpec((B, 1), lambda i: (0, 0)),
            pl.BlockSpec((B, 1), lambda i: (0, 0)),
        ],
        out_specs=pl.BlockSpec((B, CBLK), lambda i: (0, i)),
        out_shape=jax.ShapeDtypeStruct((B, N), jnp.float32),
    )(ca2d, thr, rec)


def kernel(query, cases, case_labels):
    casesT = lax.dot_general(jnp.eye(F, dtype=jnp.float32), cases,
                             (((1,), (1,)), ((), ())),
                             precision=lax.Precision.HIGHEST)
    faT, ca2d = _fa_ca(query, casesT)
    fa = faT.transpose(0, 2, 1)

    stats = _topk_stats(ca2d, case_labels)
    kth = stats[:, 0:1]
    output = stats[:, 1]
    predicted = stats[:, 2]
    recip = stats[:, 3:4]

    sm = _sm(ca2d, kth, recip)
    return (fa, sm, output, predicted)

# --- scband reference (transcript-rebuilt; emitter-appended) ---
"""Pipeline reference for scband-nn-k-nn-regression-45028437131834 (READ-ONLY COPY).

The authoritative reference and input builder live on the scoring server;
editing this copy changes nothing except your own understanding.
"""

import jax, jax.numpy as jnp
import numpy as np

TOP_K = 32

def setup_inputs(seed: int = 0) -> dict:
    key = jax.random.key(seed)
    k1, k2, k3 = jax.random.split(key, 3)
    query = jax.random.normal(k1, (32, 16), dtype=jnp.float32)
    cases = jax.random.normal(k2, (100000, 16), dtype=jnp.float32)
    case_labels = jax.random.uniform(k3, (100000,), dtype=jnp.float32)
    return {"query": query, "cases": cases, "case_labels": case_labels}

def reference(query, cases, case_labels):
    # FeatureActivationLayer: per-feature similarity between query and every stored case
    # (kernelized L1 distance -> activation in (0, 1])
    fa = jnp.exp(-jnp.abs(query[:, None, :] - cases[None, :, :]))  # [B, N, F]
    # CaseActivationLayer: aggregate feature activations into one activation per case
    ca = jnp.mean(fa, axis=-1)  # [B, N]
    # TopCaseLayer: keep only the top_k case activations, zero out the rest
    vals, _ = jax.lax.top_k(ca, TOP_K)
    kth = vals[:, -1:]
    ca_sel = jnp.where(ca >= kth, ca, 0.0)
    # CustomSoftmaxLayer: normalize by sum (not true softmax)
    total = jnp.sum(ca_sel, axis=1, keepdims=True)
    sm = ca_sel / (total + 1e-10)
    # top-k neighbor selection and label gather (kNN regression output)
    values, indices = jax.lax.top_k(sm, TOP_K)  # [B, k]
    output = jnp.mean(case_labels[indices], axis=1)  # [B]
    # RegressionActivation_3_Layer: activation-weighted label average
    predicted_number = sm @ case_labels  # [B]
    return (fa, sm, output, predicted_number)

if __name__ == "__main__":
    import jax
    _d = setup_inputs()
    print(jax.jit(kernel)(*tuple(_d.values())))

</pallas_src>

<mosaic_0001>
#map = affine_map<(d0, d1) -> (0, 0)>
#map1 = affine_map<(d0, d1) -> (0)>
module attributes {stable_mosaic.version = 14 : i64} {
  func.func @_topk_kernel_body(%arg0: i32, %arg1: i32, %arg2: memref<32x100352xf32, #tpu.memory_space<hbm>>, %arg3: memref<100000xf32, #tpu.memory_space<hbm>>, %arg4: memref<512xf32, #tpu.memory_space<hbm>>, %arg5: memref<8x12544xf32, #tpu.memory_space<vmem>>, %arg6: memref<32xi32, #tpu.memory_space<vmem>>, %arg7: memref<32xf32, #tpu.memory_space<vmem>>, %arg8: memref<16xf32, #tpu.memory_space<vmem>>, %arg9: memref<!tpu.dma_semaphore, #tpu.memory_space<semaphore_mem>>) attributes {dimension_semantics = [#tpu.dimension_semantics<core_parallel>, #tpu.dimension_semantics<subcore_parallel>], iteration_bounds = array<i64: 2, 16>, scalar_prefetch = 0 : i64, scratch_operands = 5 : i64, tpu.core_type = #tpu.core_type<sc_vector_subcore>, window_params = [{transform_indices = #map}, {transform_indices = #map1}, {transform_indices = #map1}]} {
    %mul3A = arith.constant 2 : i32
    %mul3A_0 = arith.muli %arg1, %mul3A : i32
    %add3A = arith.addi %mul3A_0, %arg0 : i32
    %jit3A = arith.constant 8 : i32
    %div3A = arith.divsi %add3A, %jit3A : i32
    %sign3A = arith.constant 0 : i32
    %sign3A_1 = arith.cmpi sgt, %add3A, %sign3A : i32
    %sign3A_2 = arith.extui %sign3A_1 : i1 to i32
    %sign3A_3 = arith.constant 0 : i32
    %sign3A_4 = arith.cmpi slt, %add3A, %sign3A_3 : i32
    %sign3A_5 = arith.extui %sign3A_4 : i1 to i32
    %sign3A_6 = arith.subi %sign3A_2, %sign3A_5 : i32
    %sign3A_7 = arith.constant 0 : i32
    %sign3A_8 = arith.cmpi sgt, %jit3A, %sign3A_7 : i32
    %sign3A_9 = arith.extui %sign3A_8 : i1 to i32
    %sign3A_10 = arith.constant 0 : i32
    %sign3A_11 = arith.cmpi slt, %jit3A, %sign3A_10 : i32
    %sign3A_12 = arith.extui %sign3A_11 : i1 to i32
    %sign3A_13 = arith.subi %sign3A_9, %sign3A_12 : i32
    %ne3A = arith.cmpi ne, %sign3A_6, %sign3A_13 : i32
    %rem3A = arith.remsi %add3A, %jit3A : i32
    %ne3A_14 = arith.constant 0 : i32
    %ne3A_15 = arith.cmpi ne, %rem3A, %ne3A_14 : i32
    %and3A = arith.andi %ne3A, %ne3A_15 : i1
    %sub3A = arith.constant 1 : i32
    %sub3A_16 = arith.subi %div3A, %sub3A : i32
    %select_n3A = arith.select %and3A, %sub3A_16, %div3A : i32
    %mul3A_17 = arith.constant 8 : i32
    %mul3A_18 = arith.muli %select_n3A, %mul3A_17 : i32
    %multiple_of3A = tpu.assume_multiple %mul3A_18, 8 : i32
    %jit3A_19 = arith.constant 8 : i32
    %eq3A = arith.constant 0 : i32
    %eq3A_20 = arith.cmpi eq, %jit3A_19, %eq3A : i32
    %jit3A_21 = arith.constant 1 : i32
    %select_n3A_22 = arith.select %eq3A_20, %jit3A_21, %jit3A_19 : i32
    %rem3A_23 = arith.remsi %add3A, %select_n3A_22 : i32
    %ne3A_24 = arith.constant 0 : i32
    %ne3A_25 = arith.cmpi ne, %rem3A_23, %ne3A_24 : i32
    %lt3A = arith.constant 0 : i32
    %lt3A_26 = arith.cmpi slt, %rem3A_23, %lt3A : i32
    %lt3A_27 = arith.constant 0 : i32
    %lt3A_28 = arith.cmpi slt, %select_n3A_22, %lt3A_27 : i32
    %ne3A_29 = arith.xori %lt3A_26, %lt3A_28 : i1
    %and3A_30 = arith.andi %ne3A_29, %ne3A_25 : i1
    %add3A_31 = arith.addi %rem3A_23, %select_n3A_22 : i32
    %select_n3A_32 = arith.select %and3A_30, %add3A_31, %rem3A_23 : i32
    %iota3A = tpu.iota {dimensions = array<i32: 0>} : vector<16xi32>
    %broadcast_in_dim3A = arith.constant 0xFF800000 : f32
    %broadcast_in_dim3A_33 = vector.broadcast %broadcast_in_dim3A : f32 to vector<16xf32>
    %broadcast_in_dim3A_34 = arith.constant 0 : i32
    %broadcast_in_dim3A_35 = vector.broadcast %broadcast_in_dim3A_34 : i32 to vector<16xi32>
    %broadcast_in_dim3A_36 = arith.constant 0xFF800000 : f32
    %broadcast_in_dim3A_37 = vector.broadcast %broadcast_in_dim3A_36 : f32 to vector<16xf32>
    %broadcast_in_dim3A_38 = arith.constant 0 : i32
    %broadcast_in_dim3A_39 = vector.broadcast %broadcast_in_dim3A_38 : i32 to vector<16xi32>
    %scan3A = arith.constant 0xFF800000 : f32
    %scan3A_40 = arith.constant 0 : i32
    %scan3A_41 = arith.constant 8 : i32
    %scan3A_42 = arith.addi %scan3A_40, %scan3A_41 : i32
    %scan3A_43 = arith.constant 1 : i32
    %scan3A_44:5 = scf.for %scan3A_120 = %scan3A_40 to %scan3A_42 step %scan3A_43 iter_args(%scan3A_121 = %broadcast_in_dim3A_33, %scan3A_122 = %broadcast_in_dim3A_35, %scan3A_123 = %broadcast_in_dim3A_37, %scan3A_124 = %broadcast_in_dim3A_39, %scan3A_125 = %scan3A) -> (vector<16xf32>, vector<16xi32>, vector<16xf32>, vector<16xi32>, f32)  : i32 {
      %mul3A_126 = arith.constant 12544 : i32
      %mul3A_127 = arith.muli %scan3A_120, %mul3A_126 : i32
      "tpu.region"() ({
        %run_scoped3A = tpu.sem_alloc : memref<!tpu.dma_semaphore, #tpu.memory_space<semaphore_mem>>
        %dma_start3A_136 = tpu.memref_slice %arg2[%multiple_of3A, %mul3A_127] : memref<32x100352xf32, #tpu.memory_space<hbm>> -> memref<8x12544xf32, #tpu.memory_space<hbm>>
        %dma_start3A_137 = tpu.memref_slice %arg2[%multiple_of3A, %mul3A_127] : memref<32x100352xf32, #tpu.memory_space<hbm>> -> memref<8x12544xf32, #tpu.memory_space<hbm>>
        tpu.enqueue_dma source(%dma_start3A_137 : memref<8x12544xf32, #tpu.memory_space<hbm>>) target(%arg5 : memref<8x12544xf32, #tpu.memory_space<vmem>>) target_semaphore(%run_scoped3A : memref<!tpu.dma_semaphore, #tpu.memory_space<semaphore_mem>>)
        %dma_wait3A_138 = tpu.memref_slice %arg2[%multiple_of3A, %mul3A_127] : memref<32x100352xf32, #tpu.memory_space<hbm>> -> memref<8x12544xf32, #tpu.memory_space<hbm>>
        %dma_wait3A_139 = tpu.memref_slice %arg2[%multiple_of3A, %mul3A_127] : memref<32x100352xf32, #tpu.memory_space<hbm>> -> memref<8x12544xf32, #tpu.memory_space<hbm>>
        tpu.wait_dma2 semaphore(%run_scoped3A : memref<!tpu.dma_semaphore, #tpu.memory_space<semaphore_mem>>) src(%dma_wait3A_139 : memref<8x12544xf32, #tpu.memory_space<hbm>>) dst(%arg5 : memref<8x12544xf32, #tpu.memory_space<vmem>>)
        tpu.yield
      }) : () -> ()
      %mul3A_128 = arith.constant 12544 : i32
      %mul3A_129 = arith.muli %scan3A_120, %mul3A_128 : i32
      %scan3A_130 = arith.constant 0 : i32
      %scan3A_131 = arith.constant 98 : i32
      %scan3A_132 = arith.addi %scan3A_130, %scan3A_131 : i32
      %scan3A_133 = arith.constant 1 : i32
      %scan3A_134:5 = scf.for %scan3A_136 = %scan3A_130 to %scan3A_132 step %scan3A_133 iter_args(%scan3A_137 = %scan3A_121, %scan3A_138 = %scan3A_122, %scan3A_139 = %scan3A_123, %scan3A_140 = %scan3A_124, %scan3A_141 = %scan3A_125) -> (vector<16xf32>, vector<16xi32>, vector<16xf32>, vector<16xi32>, f32)  : i32 {
        %mul3A_142 = arith.constant 8 : i32
        %mul3A_143 = arith.muli %scan3A_136, %mul3A_142 : i32
        %add3A_144 = arith.constant 0 : i32
        %add3A_145 = arith.addi %mul3A_143, %add3A_144 : i32
        %mul3A_146 = arith.constant 16 : i32
        %mul3A_147 = arith.muli %add3A_145, %mul3A_146 : i32
        %get3A_148 = arith.index_cast %select_n3A_32 : i32 to index
        %get3A_149 = arith.index_cast %mul3A_147 : i32 to index
        %get3A_150 = tpu.vector_load %arg5[%get3A_148, %get3A_149] {strides = array<i32>} : memref<8x12544xf32, #tpu.memory_space<vmem>>, vector<16xf32>,
        %mul3A_151 = arith.constant 8 : i32
        %mul3A_152 = arith.muli %scan3A_136, %mul3A_151 : i32
        %add3A_153 = arith.constant 1 : i32
        %add3A_154 = arith.addi %mul3A_152, %add3A_153 : i32
        %mul3A_155 = arith.constant 16 : i32
        %mul3A_156 = arith.muli %add3A_154, %mul3A_155 : i32
        %get3A_157 = arith.index_cast %select_n3A_32 : i32 to index
        %get3A_158 = arith.index_cast %mul3A_156 : i32 to index
        %get3A_159 = tpu.vector_load %arg5[%get3A_157, %get3A_158] {strides = array<i32>} : memref<8x12544xf32, #tpu.memory_space<vmem>>, vector<16xf32>,
        %mul3A_160 = arith.constant 8 : i32
        %mul3A_161 = arith.muli %scan3A_136, %mul3A_160 : i32
        %add3A_162 = arith.constant 2 : i32
        %add3A_163 = arith.addi %mul3A_161, %add3A_162 : i32
        %mul3A_164 = arith.constant 16 : i32
        %mul3A_165 = arith.muli %add3A_163, %mul3A_164 : i32
        %get3A_166 = arith.index_cast %select_n3A_32 : i32 to index
        %get3A_167 = arith.index_cast %mul3A_165 : i32 to index
        %get3A_168 = tpu.vector_load %arg5[%get3A_166, %get3A_167] {strides = array<i32>} : memref<8x12544xf32, #tpu.memory_space<vmem>>, vector<16xf32>,
        %mul3A_169 = arith.constant 8 : i32
        %mul3A_170 = arith.muli %scan3A_136, %mul3A_169 : i32
        %add3A_171 = arith.constant 3 : i32
        %add3A_172 = arith.addi %mul3A_170, %add3A_171 : i32
        %mul3A_173 = arith.constant 16 : i32
        %mul3A_174 = arith.muli %add3A_172, %mul3A_173 : i32
        %get3A_175 = arith.index_cast %select_n3A_32 : i32 to index
        %get3A_176 = arith.index_cast %mul3A_174 : i32 to index
        %get3A_177 = tpu.vector_load %arg5[%get3A_175, %get3A_176] {strides = array<i32>} : memref<8x12544xf32, #tpu.memory_space<vmem>>, vector<16xf32>,
        %mul3A_178 = arith.constant 8 : i32
        %mul3A_179 = arith.muli %scan3A_136, %mul3A_178 : i32
        %add3A_180 = arith.constant 4 : i32
        %add3A_181 = arith.addi %mul3A_179, %add3A_180 : i32
        %mul3A_182 = arith.constant 16 : i32
        %mul3A_183 = arith.muli %add3A_181, %mul3A_182 : i32
        %get3A_184 = arith.index_cast %select_n3A_32 : i32 to index
        %get3A_185 = arith.index_cast %mul3A_183 : i32 to index
        %get3A_186 = tpu.vector_load %arg5[%get3A_184, %get3A_185] {strides = array<i32>} : memref<8x12544xf32, #tpu.memory_space<vmem>>, vector<16xf32>,
        %mul3A_187 = arith.constant 8 : i32
        %mul3A_188 = arith.muli %scan3A_136, %mul3A_187 : i32
        %add3A_189 = arith.constant 5 : i32
        %add3A_190 = arith.addi %mul3A_188, %add3A_189 : i32
        %mul3A_191 = arith.constant 16 : i32
        %mul3A_192 = arith.muli %add3A_190, %mul3A_191 : i32
        %get3A_193 = arith.index_cast %select_n3A_32 : i32 to index
        %get3A_194 = arith.index_cast %mul3A_192 : i32 to index
        %get3A_195 = tpu.vector_load %arg5[%get3A_193, %get3A_194] {strides = array<i32>} : memref<8x12544xf32, #tpu.memory_space<vmem>>, vector<16xf32>,
        %mul3A_196 = arith.constant 8 : i32
        %mul3A_197 = arith.muli %scan3A_136, %mul3A_196 : i32
        %add3A_198 = arith.constant 6 : i32
        %add3A_199 = arith.addi %mul3A_197, %add3A_198 : i32
        %mul3A_200 = arith.constant 16 : i32
        %mul3A_201 = arith.muli %add3A_199, %mul3A_200 : i32
        %get3A_202 = arith.index_cast %select_n3A_32 : i32 to index
        %get3A_203 = arith.index_cast %mul3A_201 : i32 to index
        %get3A_204 = tpu.vector_load %arg5[%get3A_202, %get3A_203] {strides = array<i32>} : memref<8x12544xf32, #tpu.memory_space<vmem>>, vector<16xf32>,
        %mul3A_205 = arith.constant 8 : i32
        %mul3A_206 = arith.muli %scan3A_136, %mul3A_205 : i32
        %add3A_207 = arith.constant 7 : i32
        %add3A_208 = arith.addi %mul3A_206, %add3A_207 : i32
        %mul3A_209 = arith.constant 16 : i32
        %mul3A_210 = arith.muli %add3A_208, %mul3A_209 : i32
        %get3A_211 = arith.index_cast %select_n3A_32 : i32 to index
        %get3A_212 = arith.index_cast %mul3A_210 : i32 to index
        %get3A_213 = tpu.vector_load %arg5[%get3A_211, %get3A_212] {strides = array<i32>} : memref<8x12544xf32, #tpu.memory_space<vmem>>, vector<16xf32>,
        %max3A = arith.maximumf %get3A_150, %get3A_159 : vector<16xf32>
        %max3A_214 = arith.maximumf %max3A, %get3A_168 : vector<16xf32>
        %max3A_215 = arith.maximumf %max3A_214, %get3A_177 : vector<16xf32>
        %max3A_216 = arith.maximumf %max3A_215, %get3A_186 : vector<16xf32>
        %max3A_217 = arith.maximumf %max3A_216, %get3A_195 : vector<16xf32>
        %max3A_218 = arith.maximumf %max3A_217, %get3A_204 : vector<16xf32>
        %max3A_219 = arith.maximumf %max3A_218, %get3A_213 : vector<16xf32>
        %gt3A = vector.broadcast %scan3A_141 : f32 to vector<16xf32>
        %gt3A_220 = arith.cmpf ogt, %max3A_219, %gt3A : vector<16xf32>
        %reduce_or3A = arith.constant 1.000000e+00 : f32
        %reduce_or3A_221 = arith.constant 0.000000e+00 : f32
        %reduce_or3A_222 = vector.broadcast %reduce_or3A : f32 to vector<16xf32>
        %reduce_or3A_223 = vector.broadcast %reduce_or3A_221 : f32 to vector<16xf32>
        %reduce_or3A_224 = arith.select %gt3A_220, %reduce_or3A_222, %reduce_or3A_223 : vector<16xi1>, vector<16xf32>
        %reduce_or3A_225 = arith.constant true
        %reduce_or3A_226 = vector.broadcast %reduce_or3A_225 : i1 to vector<16xi1>
        %reduce_or3A_227 = tpu.scan <max>, %reduce_or3A_224 masked %reduce_or3A_226 : vector<16xf32>, vector<16xi1> -> vector<16xf32>
        %reduce_or3A_228 = vector.extract %reduce_or3A_227[15] : f32 from vector<16xf32>
        %reduce_or3A_229 = arith.constant 0.000000e+00 : f32
        %reduce_or3A_230 = arith.cmpf ogt, %reduce_or3A_228, %reduce_or3A_229 : f32
        %convert_element_type3A = arith.extui %reduce_or3A_230 : i1 to i32
        %cond3A = arith.constant 0 : i32
        %cond3A_231 = arith.cmpi ne, %convert_element_type3A, %cond3A : i32
        %cond3A_232:5 = scf.if %cond3A_231 -> (vector<16xf32>, vector<16xi32>, vector<16xf32>, vector<16xi32>, f32) {
          %gt3A_233 = vector.broadcast %scan3A_141 : f32 to vector<16xf32>
          %gt3A_234 = arith.cmpf ogt, %get3A_150, %gt3A_233 : vector<16xf32>
          %jit3A_235 = arith.constant 0xFF800000 : f32
          %broadcast_in_dim3A_236 = vector.broadcast %jit3A_235 : f32 to vector<16xf32>
          %select_n3A_237 = arith.select %gt3A_234, %get3A_150, %broadcast_in_dim3A_236 : vector<16xi1>, vector<16xf32>
          %mul3A_238 = arith.constant 8 : i32
          %mul3A_239 = arith.muli %scan3A_136, %mul3A_238 : i32
          %add3A_240 = arith.constant 0 : i32
          %add3A_241 = arith.addi %mul3A_239, %add3A_240 : i32
          %mul3A_242 = arith.constant 16 : i32
          %mul3A_243 = arith.muli %add3A_241, %mul3A_242 : i32
          %add3A_244 = arith.addi %mul3A_129, %mul3A_243 : i32
          %add3A_245 = vector.broadcast %add3A_244 : i32 to vector<16xi32>
          %add3A_246 = arith.addi %add3A_245, %iota3A : vector<16xi32>
          %masked_sort3A = arith.constant dense<true> : vector<16xi1>
          %masked_sort3A_247, %masked_sort3A_248, %masked_sort3A_249 = tpu.sort %select_n3A_237, %add3A_246 masked %masked_sort3A {descending = true} : (vector<16xf32>, vector<16xi32>, vector<16xi1>) -> (vector<16xi1>, vector<16xf32>, vector<16xi32>)
          %rev3A = arith.constant 15 : i32
          %rev3A_250 = vector.broadcast %rev3A : i32 to vector<16xi32>
          %rev3A_251 = tpu.iota {dimensions = array<i32: 0>} : vector<16xi32>
          %rev3A_252 = arith.subi %rev3A_250, %rev3A_251 : vector<16xi32>
          %rev3A_253 = tpu.dynamic_gather %scan3A_139[%rev3A_252] in [0] : vector<16xf32>, vector<16xi32> -> vector<16xf32>
          %rev3A_254 = arith.constant 15 : i32
          %rev3A_255 = vector.broadcast %rev3A_254 : i32 to vector<16xi32>
          %rev3A_256 = tpu.iota {dimensions = array<i32: 0>} : vector<16xi32>
          %rev3A_257 = arith.subi %rev3A_255, %rev3A_256 : vector<16xi32>
          %rev3A_258 = tpu.dynamic_gather %scan3A_140[%rev3A_257] in [0] : vector<16xi32>, vector<16xi32> -> vector<16xi32>
          %gt3A_259 = arith.cmpf ogt, %masked_sort3A_248, %rev3A_253 : vector<16xf32>
          %select_n3A_260 = arith.select %gt3A_259, %masked_sort3A_248, %rev3A_253 : vector<16xi1>, vector<16xf32>
          %select_n3A_261 = arith.select %gt3A_259, %masked_sort3A_249, %rev3A_258 : vector<16xi1>, vector<16xi32>
          %masked_sort3A_262 = arith.constant dense<true> : vector<16xi1>
          %masked_sort3A_263, %masked_sort3A_264, %masked_sort3A_265 = tpu.sort %select_n3A_260, %select_n3A_261 masked %masked_sort3A_262 {descending = true} : (vector<16xf32>, vector<16xi32>, vector<16xi1>) -> (vector<16xi1>, vector<16xf32>, vector<16xi32>)
          %rev3A_266 = arith.constant 15 : i32
          %rev3A_267 = vector.broadcast %rev3A_266 : i32 to vector<16xi32>
          %rev3A_268 = tpu.iota {dimensions = array<i32: 0>} : vector<16xi32>
          %rev3A_269 = arith.subi %rev3A_267, %rev3A_268 : vector<16xi32>
          %rev3A_270 = tpu.dynamic_gather %masked_sort3A_264[%rev3A_269] in [0] : vector<16xf32>, vector<16xi32> -> vector<16xf32>
          %rev3A_271 = arith.constant 15 : i32
          %rev3A_272 = vector.broadcast %rev3A_271 : i32 to vector<16xi32>
          %rev3A_273 = tpu.iota {dimensions = array<i32: 0>} : vector<16xi32>
          %rev3A_274 = arith.subi %rev3A_272, %rev3A_273 : vector<16xi32>
          %rev3A_275 = tpu.dynamic_gather %masked_sort3A_265[%rev3A_274] in [0] : vector<16xi32>, vector<16xi32> -> vector<16xi32>
          %ge3A = arith.cmpf oge, %scan3A_137, %rev3A_270 : vector<16xf32>
          %select_n3A_276 = arith.select %ge3A, %scan3A_137, %rev3A_270 : vector<16xi1>, vector<16xf32>
          %select_n3A_277 = arith.select %ge3A, %scan3A_138, %rev3A_275 : vector<16xi1>, vector<16xi32>
          %select_n3A_278 = arith.select %ge3A, %rev3A_270, %scan3A_137 : vector<16xi1>, vector<16xf32>
          %select_n3A_279 = arith.select %ge3A, %rev3A_275, %scan3A_138 : vector<16xi1>, vector<16xi32>
          %masked_sort3A_280 = arith.constant dense<true> : vector<16xi1>
          %masked_sort3A_281, %masked_sort3A_282, %masked_sort3A_283 = tpu.sort %select_n3A_276, %select_n3A_277 masked %masked_sort3A_280 {descending = true} : (vector<16xf32>, vector<16xi32>, vector<16xi1>) -> (vector<16xi1>, vector<16xf32>, vector<16xi32>)
          %masked_sort3A_284 = arith.constant dense<true> : vector<16xi1>
          %masked_sort3A_285, %masked_sort3A_286, %masked_sort3A_287 = tpu.sort %select_n3A_278, %select_n3A_279 masked %masked_sort3A_284 {descending = true} : (vector<16xf32>, vector<16xi32>, vector<16xi1>) -> (vector<16xi1>, vector<16xf32>, vector<16xi32>)
          %reduce_min3A_288 = arith.constant true
          %reduce_min3A_289 = vector.broadcast %reduce_min3A_288 : i1 to vector<16xi1>
          %reduce_min3A_290 = tpu.scan <min>, %masked_sort3A_286 masked %reduce_min3A_289 : vector<16xf32>, vector<16xi1> -> vector<16xf32>
          %reduce_min3A_291 = vector.extract %reduce_min3A_290[15] : f32 from vector<16xf32>
          %gt3A_292 = vector.broadcast %reduce_min3A_291 : f32 to vector<16xf32>
          %gt3A_293 = arith.cmpf ogt, %get3A_159, %gt3A_292 : vector<16xf32>
          %jit3A_294 = arith.constant 0xFF800000 : f32
          %broadcast_in_dim3A_295 = vector.broadcast %jit3A_294 : f32 to vector<16xf32>
          %select_n3A_296 = arith.select %gt3A_293, %get3A_159, %broadcast_in_dim3A_295 : vector<16xi1>, vector<16xf32>
          %mul3A_297 = arith.constant 8 : i32
          %mul3A_298 = arith.muli %scan3A_136, %mul3A_297 : i32
          %add3A_299 = arith.constant 1 : i32
          %add3A_300 = arith.addi %mul3A_298, %add3A_299 : i32
          %mul3A_301 = arith.constant 16 : i32
          %mul3A_302 = arith.muli %add3A_300, %mul3A_301 : i32
          %add3A_303 = arith.addi %mul3A_129, %mul3A_302 : i32
          %add3A_304 = vector.broadcast %add3A_303 : i32 to vector<16xi32>
          %add3A_305 = arith.addi %add3A_304, %iota3A : vector<16xi32>
          %masked_sort3A_306 = arith.constant dense<true> : vector<16xi1>
          %masked_sort3A_307, %masked_sort3A_308, %masked_sort3A_309 = tpu.sort %select_n3A_296, %add3A_305 masked %masked_sort3A_306 {descending = true} : (vector<16xf32>, vector<16xi32>, vector<16xi1>) -> (vector<16xi1>, vector<16xf32>, vector<16xi32>)
          %rev3A_310 = arith.constant 15 : i32
          %rev3A_311 = vector.broadcast %rev3A_310 : i32 to vector<16xi32>
          %rev3A_312 = tpu.iota {dimensions = array<i32: 0>} : vector<16xi32>
          %rev3A_313 = arith.subi %rev3A_311, %rev3A_312 : vector<16xi32>
          %rev3A_314 = tpu.dynamic_gather %masked_sort3A_286[%rev3A_313] in [0] : vector<16xf32>, vector<16xi32> -> vector<16xf32>
          %rev3A_315 = arith.constant 15 : i32
          %rev3A_316 = vector.broadcast %rev3A_315 : i32 to vector<16xi32>
          %rev3A_317 = tpu.iota {dimensions = array<i32: 0>} : vector<16xi32>
          %rev3A_318 = arith.subi %rev3A_316, %rev3A_317 : vector<16xi32>
          %rev3A_319 = tpu.dynamic_gather %masked_sort3A_287[%rev3A_318] in [0] : vector<16xi32>, vector<16xi32> -> vector<16xi32>
          %gt3A_320 = arith.cmpf ogt, %masked_sort3A_308, %rev3A_314 : vector<16xf32>
          %select_n3A_321 = arith.select %gt3A_320, %masked_sort3A_308, %rev3A_314 : vector<16xi1>, vector<16xf32>
          %select_n3A_322 = arith.select %gt3A_320, %masked_sort3A_309, %rev3A_319 : vector<16xi1>, vector<16xi32>
          %masked_sort3A_323 = arith.constant dense<true> : vector<16xi1>
          %masked_sort3A_324, %masked_sort3A_325, %masked_sort3A_326 = tpu.sort %select_n3A_321, %select_n3A_322 masked %masked_sort3A_323 {descending = true} : (vector<16xf32>, vector<16xi32>, vector<16xi1>) -> (vector<16xi1>, vector<16xf32>, vector<16xi32>)
          %rev3A_327 = arith.constant 15 : i32
          %rev3A_328 = vector.broadcast %rev3A_327 : i32 to vector<16xi32>
          %rev3A_329 = tpu.iota {dimensions = array<i32: 0>} : vector<16xi32>
          %rev3A_330 = arith.subi %rev3A_328, %rev3A_329 : vector<16xi32>
          %rev3A_331 = tpu.dynamic_gather %masked_sort3A_325[%rev3A_330] in [0] : vector<16xf32>, vector<16xi32> -> vector<16xf32>
          %rev3A_332 = arith.constant 15 : i32
          %rev3A_333 = vector.broadcast %rev3A_332 : i32 to vector<16xi32>
          %rev3A_334 = tpu.iota {dimensions = array<i32: 0>} : vector<16xi32>
          %rev3A_335 = arith.subi %rev3A_333, %rev3A_334 : vector<16xi32>
          %rev3A_336 = tpu.dynamic_gather %masked_sort3A_326[%rev3A_335] in [0] : vector<16xi32>, vector<16xi32> -> vector<16xi32>
          %ge3A_337 = arith.cmpf oge, %masked_sort3A_282, %rev3A_331 : vector<16xf32>
          %select_n3A_338 = arith.select %ge3A_337, %masked_sort3A_282, %rev3A_331 : vector<16xi1>, vector<16xf32>
          %select_n3A_339 = arith.select %ge3A_337, %masked_sort3A_283, %rev3A_336 : vector<16xi1>, vector<16xi32>
          %select_n3A_340 = arith.select %ge3A_337, %rev3A_331, %masked_sort3A_282 : vector<16xi1>, vector<16xf32>
          %select_n3A_341 = arith.select %ge3A_337, %rev3A_336, %masked_sort3A_283 : vector<16xi1>, vector<16xi32>
          %masked_sort3A_342 = arith.constant dense<true> : vector<16xi1>
          %masked_sort3A_343, %masked_sort3A_344, %masked_sort3A_345 = tpu.sort %select_n3A_338, %select_n3A_339 masked %masked_sort3A_342 {descending = true} : (vector<16xf32>, vector<16xi32>, vector<16xi1>) -> (vector<16xi1>, vector<16xf32>, vector<16xi32>)
          %masked_sort3A_346 = arith.constant dense<true> : vector<16xi1>
          %masked_sort3A_347, %masked_sort3A_348, %masked_sort3A_349 = tpu.sort %select_n3A_340, %select_n3A_341 masked %masked_sort3A_346 {descending = true} : (vector<16xf32>, vector<16xi32>, vector<16xi1>) -> (vector<16xi1>, vector<16xf32>, vector<16xi32>)
          %reduce_min3A_350 = arith.constant true
          %reduce_min3A_351 = vector.broadcast %reduce_min3A_350 : i1 to vector<16xi1>
          %reduce_min3A_352 = tpu.scan <min>, %masked_sort3A_348 masked %reduce_min3A_351 : vector<16xf32>, vector<16xi1> -> vector<16xf32>
          %reduce_min3A_353 = vector.extract %reduce_min3A_352[15] : f32 from vector<16xf32>
          %gt3A_354 = vector.broadcast %reduce_min3A_353 : f32 to vector<16xf32>
          %gt3A_355 = arith.cmpf ogt, %get3A_168, %gt3A_354 : vector<16xf32>
          %jit3A_356 = arith.constant 0xFF800000 : f32
          %broadcast_in_dim3A_357 = vector.broadcast %jit3A_356 : f32 to vector<16xf32>
          %select_n3A_358 = arith.select %gt3A_355, %get3A_168, %broadcast_in_dim3A_357 : vector<16xi1>, vector<16xf32>
          %mul3A_359 = arith.constant 8 : i32
          %mul3A_360 = arith.muli %scan3A_136, %mul3A_359 : i32
          %add3A_361 = arith.constant 2 : i32
          %add3A_362 = arith.addi %mul3A_360, %add3A_361 : i32
          %mul3A_363 = arith.constant 16 : i32
          %mul3A_364 = arith.muli %add3A_362, %mul3A_363 : i32
          %add3A_365 = arith.addi %mul3A_129, %mul3A_364 : i32
          %add3A_366 = vector.broadcast %add3A_365 : i32 to vector<16xi32>
          %add3A_367 = arith.addi %add3A_366, %iota3A : vector<16xi32>
          %masked_sort3A_368 = arith.constant dense<true> : vector<16xi1>
          %masked_sort3A_369, %masked_sort3A_370, %masked_sort3A_371 = tpu.sort %select_n3A_358, %add3A_367 masked %masked_sort3A_368 {descending = true} : (vector<16xf32>, vector<16xi32>, vector<16xi1>) -> (vector<16xi1>, vector<16xf32>, vector<16xi32>)
          %rev3A_372 = arith.constant 15 : i32
          %rev3A_373 = vector.broadcast %rev3A_372 : i32 to vector<16xi32>
          %rev3A_374 = tpu.iota {dimensions = array<i32: 0>} : vector<16xi32>
          %rev3A_375 = arith.subi %rev3A_373, %rev3A_374 : vector<16xi32>
          %rev3A_376 = tpu.dynamic_gather %masked_sort3A_348[%rev3A_375] in [0] : vector<16xf32>, vector<16xi32> -> vector<16xf32>
          %rev3A_377 = arith.constant 15 : i32
          %rev3A_378 = vector.broadcast %rev3A_377 : i32 to vector<16xi32>
          %rev3A_379 = tpu.iota {dimensions = array<i32: 0>} : vector<16xi32>
          %rev3A_380 = arith.subi %rev3A_378, %rev3A_379 : vector<16xi32>
          %rev3A_381 = tpu.dynamic_gather %masked_sort3A_349[%rev3A_380] in [0] : vector<16xi32>, vector<16xi32> -> vector<16xi32>
          %gt3A_382 = arith.cmpf ogt, %masked_sort3A_370, %rev3A_376 : vector<16xf32>
          %select_n3A_383 = arith.select %gt3A_382, %masked_sort3A_370, %rev3A_376 : vector<16xi1>, vector<16xf32>
          %select_n3A_384 = arith.select %gt3A_382, %masked_sort3A_371, %rev3A_381 : vector<16xi1>, vector<16xi32>
          %masked_sort3A_385 = arith.constant dense<true> : vector<16xi1>
          %masked_sort3A_386, %masked_sort3A_387, %masked_sort3A_388 = tpu.sort %select_n3A_383, %select_n3A_384 masked %masked_sort3A_385 {descending = true} : (vector<16xf32>, vector<16xi32>, vector<16xi1>) -> (vector<16xi1>, vector<16xf32>, vector<16xi32>)
          %rev3A_389 = arith.constant 15 : i32
          %rev3A_390 = vector.broadcast %rev3A_389 : i32 to vector<16xi32>
          %rev3A_391 = tpu.iota {dimensions = array<i32: 0>} : vector<16xi32>
          %rev3A_392 = arith.subi %rev3A_390, %rev3A_391 : vector<16xi32>
          %rev3A_393 = tpu.dynamic_gather %masked_sort3A_387[%rev3A_392] in [0] : vector<16xf32>, vector<16xi32> -> vector<16xf32>
          %rev3A_394 = arith.constant 15 : i32
          %rev3A_395 = vector.broadcast %rev3A_394 : i32 to vector<16xi32>
          %rev3A_396 = tpu.iota {dimensions = array<i32: 0>} : vector<16xi32>
          %rev3A_397 = arith.subi %rev3A_395, %rev3A_396 : vector<16xi32>
          %rev3A_398 = tpu.dynamic_gather %masked_sort3A_388[%rev3A_397] in [0] : vector<16xi32>, vector<16xi32> -> vector<16xi32>
          %ge3A_399 = arith.cmpf oge, %masked_sort3A_344, %rev3A_393 : vector<16xf32>
          %select_n3A_400 = arith.select %ge3A_399, %masked_sort3A_344, %rev3A_393 : vector<16xi1>, vector<16xf32>
          %select_n3A_401 = arith.select %ge3A_399, %masked_sort3A_345, %rev3A_398 : vector<16xi1>, vector<16xi32>
          %select_n3A_402 = arith.select %ge3A_399, %rev3A_393, %masked_sort3A_344 : vector<16xi1>, vector<16xf32>
          %select_n3A_403 = arith.select %ge3A_399, %rev3A_398, %masked_sort3A_345 : vector<16xi1>, vector<16xi32>
          %masked_sort3A_404 = arith.constant dense<true> : vector<16xi1>
          %masked_sort3A_405, %masked_sort3A_406, %masked_sort3A_407 = tpu.sort %select_n3A_400, %select_n3A_401 masked %masked_sort3A_404 {descending = true} : (vector<16xf32>, vector<16xi32>, vector<16xi1>) -> (vector<16xi1>, vector<16xf32>, vector<16xi32>)
          %masked_sort3A_408 = arith.constant dense<true> : vector<16xi1>
          %masked_sort3A_409, %masked_sort3A_410, %masked_sort3A_411 = tpu.sort %select_n3A_402, %select_n3A_403 masked %masked_sort3A_408 {descending = true} : (vector<16xf32>, vector<16xi32>, vector<16xi1>) -> (vector<16xi1>, vector<16xf32>, vector<16xi32>)
          %reduce_min3A_412 = arith.constant true
          %reduce_min3A_413 = vector.broadcast %reduce_min3A_412 : i1 to vector<16xi1>
          %reduce_min3A_414 = tpu.scan <min>, %masked_sort3A_410 masked %reduce_min3A_413 : vector<16xf32>, vector<16xi1> -> vector<16xf32>
          %reduce_min3A_415 = vector.extract %reduce_min3A_414[15] : f32 from vector<16xf32>
          %gt3A_416 = vector.broadcast %reduce_min3A_415 : f32 to vector<16xf32>
          %gt3A_417 = arith.cmpf ogt, %get3A_177, %gt3A_416 : vector<16xf32>
          %jit3A_418 = arith.constant 0xFF800000 : f32
          %broadcast_in_dim3A_419 = vector.broadcast %jit3A_418 : f32 to vector<16xf32>
          %select_n3A_420 = arith.select %gt3A_417, %get3A_177, %broadcast_in_dim3A_419 : vector<16xi1>, vector<16xf32>
          %mul3A_421 = arith.constant 8 : i32
          %mul3A_422 = arith.muli %scan3A_136, %mul3A_421 : i32
          %add3A_423 = arith.constant 3 : i32
          %add3A_424 = arith.addi %mul3A_422, %add3A_423 : i32
          %mul3A_425 = arith.constant 16 : i32
          %mul3A_426 = arith.muli %add3A_424, %mul3A_425 : i32
          %add3A_427 = arith.addi %mul3A_129, %mul3A_426 : i32
          %add3A_428 = vector.broadcast %add3A_427 : i32 to vector<16xi32>
          %add3A_429 = arith.addi %add3A_428, %iota3A : vector<16xi32>
          %masked_sort3A_430 = arith.constant dense<true> : vector<16xi1>
          %masked_sort3A_431, %masked_sort3A_432, %masked_sort3A_433 = tpu.sort %select_n3A_420, %add3A_429 masked %masked_sort3A_430 {descending = true} : (vector<16xf32>, vector<16xi32>, vector<16xi1>) -> (vector<16xi1>, vector<16xf32>, vector<16xi32>)
          %rev3A_434 = arith.constant 15 : i32
          %rev3A_435 = vector.broadcast %rev3A_434 : i32 to vector<16xi32>
          %rev3A_436 = tpu.iota {dimensions = array<i32: 0>} : vector<16xi32>
          %rev3A_437 = arith.subi %rev3A_435, %rev3A_436 : vector<16xi32>
          %rev3A_438 = tpu.dynamic_gather %masked_sort3A_410[%rev3A_437] in [0] : vector<16xf32>, vector<16xi32> -> vector<16xf32>
          %rev3A_439 = arith.constant 15 : i32
          %rev3A_440 = vector.broadcast %rev3A_439 : i32 to vector<16xi32>
          %rev3A_441 = tpu.iota {dimensions = array<i32: 0>} : vector<16xi32>
          %rev3A_442 = arith.subi %rev3A_440, %rev3A_441 : vector<16xi32>
          %rev3A_443 = tpu.dynamic_gather %masked_sort3A_411[%rev3A_442] in [0] : vector<16xi32>, vector<16xi32> -> vector<16xi32>
          %gt3A_444 = arith.cmpf ogt, %masked_sort3A_432, %rev3A_438 : vector<16xf32>
          %select_n3A_445 = arith.select %gt3A_444, %masked_sort3A_432, %rev3A_438 : vector<16xi1>, vector<16xf32>
          %select_n3A_446 = arith.select %gt3A_444, %masked_sort3A_433, %rev3A_443 : vector<16xi1>, vector<16xi32>
          %masked_sort3A_447 = arith.constant dense<true> : vector<16xi1>
          %masked_sort3A_448, %masked_sort3A_449, %masked_sort3A_450 = tpu.sort %select_n3A_445, %select_n3A_446 masked %masked_sort3A_447 {descending = true} : (vector<16xf32>, vector<16xi32>, vector<16xi1>) -> (vector<16xi1>, vector<16xf32>, vector<16xi32>)
          %rev3A_451 = arith.constant 15 : i32
          %rev3A_452 = vector.broadcast %rev3A_451 : i32 to vector<16xi32>
          %rev3A_453 = tpu.iota {dimensions = array<i32: 0>} : vector<16xi32>
          %rev3A_454 = arith.subi %rev3A_452, %rev3A_453 : vector<16xi32>
          %rev3A_455 = tpu.dynamic_gather %masked_sort3A_449[%rev3A_454] in [0] : vector<16xf32>, vector<16xi32> -> vector<16xf32>
          %rev3A_456 = arith.constant 15 : i32
          %rev3A_457 = vector.broadcast %rev3A_456 : i32 to vector<16xi32>
          %rev3A_458 = tpu.iota {dimensions = array<i32: 0>} : vector<16xi32>
          %rev3A_459 = arith.subi %rev3A_457, %rev3A_458 : vector<16xi32>
          %rev3A_460 = tpu.dynamic_gather %masked_sort3A_450[%rev3A_459] in [0] : vector<16xi32>, vector<16xi32> -> vector<16xi32>
          %ge3A_461 = arith.cmpf oge, %masked_sort3A_406, %rev3A_455 : vector<16xf32>
          %select_n3A_462 = arith.select %ge3A_461, %masked_sort3A_406, %rev3A_455 : vector<16xi1>, vector<16xf32>
          %select_n3A_463 = arith.select %ge3A_461, %masked_sort3A_407, %rev3A_460 : vector<16xi1>, vector<16xi32>
          %select_n3A_464 = arith.select %ge3A_461, %rev3A_455, %masked_sort3A_406 : vector<16xi1>, vector<16xf32>
          %select_n3A_465 = arith.select %ge3A_461, %rev3A_460, %masked_sort3A_407 : vector<16xi1>, vector<16xi32>
          %masked_sort3A_466 = arith.constant dense<true> : vector<16xi1>
          %masked_sort3A_467, %masked_sort3A_468, %masked_sort3A_469 = tpu.sort %select_n3A_462, %select_n3A_463 masked %masked_sort3A_466 {descending = true} : (vector<16xf32>, vector<16xi32>, vector<16xi1>) -> (vector<16xi1>, vector<16xf32>, vector<16xi32>)
          %masked_sort3A_470 = arith.constant dense<true> : vector<16xi1>
          %masked_sort3A_471, %masked_sort3A_472, %masked_sort3A_473 = tpu.sort %select_n3A_464, %select_n3A_465 masked %masked_sort3A_470 {descending = true} : (vector<16xf32>, vector<16xi32>, vector<16xi1>) -> (vector<16xi1>, vector<16xf32>, vector<16xi32>)
          %reduce_min3A_474 = arith.constant true
          %reduce_min3A_475 = vector.broadcast %reduce_min3A_474 : i1 to vector<16xi1>
          %reduce_min3A_476 = tpu.scan <min>, %masked_sort3A_472 masked %reduce_min3A_475 : vector<16xf32>, vector<16xi1> -> vector<16xf32>
          %reduce_min3A_477 = vector.extract %reduce_min3A_476[15] : f32 from vector<16xf32>
          %gt3A_478 = vector.broadcast %reduce_min3A_477 : f32 to vector<16xf32>
          %gt3A_479 = arith.cmpf ogt, %get3A_186, %gt3A_478 : vector<16xf32>
          %jit3A_480 = arith.constant 0xFF800000 : f32
          %broadcast_in_dim3A_481 = vector.broadcast %jit3A_480 : f32 to vector<16xf32>
          %select_n3A_482 = arith.select %gt3A_479, %get3A_186, %broadcast_in_dim3A_481 : vector<16xi1>, vector<16xf32>
          %mul3A_483 = arith.constant 8 : i32
          %mul3A_484 = arith.muli %scan3A_136, %mul3A_483 : i32
          %add3A_485 = arith.constant 4 : i32
          %add3A_486 = arith.addi %mul3A_484, %add3A_485 : i32
          %mul3A_487 = arith.constant 16 : i32
          %mul3A_488 = arith.muli %add3A_486, %mul3A_487 : i32
          %add3A_489 = arith.addi %mul3A_129, %mul3A_488 : i32
          %add3A_490 = vector.broadcast %add3A_489 : i32 to vector<16xi32>
          %add3A_491 = arith.addi %add3A_490, %iota3A : vector<16xi32>
          %masked_sort3A_492 = arith.constant dense<true> : vector<16xi1>
          %masked_sort3A_493, %masked_sort3A_494, %masked_sort3A_495 = tpu.sort %select_n3A_482, %add3A_491 masked %masked_sort3A_492 {descending = true} : (vector<16xf32>, vector<16xi32>, vector<16xi1>) -> (vector<16xi1>, vector<16xf32>, vector<16xi32>)
          %rev3A_496 = arith.constant 15 : i32
          %rev3A_497 = vector.broadcast %rev3A_496 : i32 to vector<16xi32>
          %rev3A_498 = tpu.iota {dimensions = array<i32: 0>} : vector<16xi32>
          %rev3A_499 = arith.subi %rev3A_497, %rev3A_498 : vector<16xi32>
          %rev3A_500 = tpu.dynamic_gather %masked_sort3A_472[%rev3A_499] in [0] : vector<16xf32>, vector<16xi32> -> vector<16xf32>
          %rev3A_501 = arith.constant 15 : i32
          %rev3A_502 = vector.broadcast %rev3A_501 : i32 to vector<16xi32>
          %rev3A_503 = tpu.iota {dimensions = array<i32: 0>} : vector<16xi32>
          %rev3A_504 = arith.subi %rev3A_502, %rev3A_503 : vector<16xi32>
          %rev3A_505 = tpu.dynamic_gather %masked_sort3A_473[%rev3A_504] in [0] : vector<16xi32>, vector<16xi32> -> vector<16xi32>
          %gt3A_506 = arith.cmpf ogt, %masked_sort3A_494, %rev3A_500 : vector<16xf32>
          %select_n3A_507 = arith.select %gt3A_506, %masked_sort3A_494, %rev3A_500 : vector<16xi1>, vector<16xf32>
          %select_n3A_508 = arith.select %gt3A_506, %masked_sort3A_495, %rev3A_505 : vector<16xi1>, vector<16xi32>
          %masked_sort3A_509 = arith.constant dense<true> : vector<16xi1>
          %masked_sort3A_510, %masked_sort3A_511, %masked_sort3A_512 = tpu.sort %select_n3A_507, %select_n3A_508 masked %masked_sort3A_509 {descending = true} : (vector<16xf32>, vector<16xi32>, vector<16xi1>) -> (vector<16xi1>, vector<16xf32>, vector<16xi32>)
          %rev3A_513 = arith.constant 15 : i32
          %rev3A_514 = vector.broadcast %rev3A_513 : i32 to vector<16xi32>
          %rev3A_515 = tpu.iota {dimensions = array<i32: 0>} : vector<16xi32>
          %rev3A_516 = arith.subi %rev3A_514, %rev3A_515 : vector<16xi32>
          %rev3A_517 = tpu.dynamic_gather %masked_sort3A_511[%rev3A_516] in [0] : vector<16xf32>, vector<16xi32> -> vector<16xf32>
          %rev3A_518 = arith.constant 15 : i32
          %rev3A_519 = vector.broadcast %rev3A_518 : i32 to vector<16xi32>
          %rev3A_520 = tpu.iota {dimensions = array<i32: 0>} : vector<16xi32>
          %rev3A_521 = arith.subi %rev3A_519, %rev3A_520 : vector<16xi32>
          %rev3A_522 = tpu.dynamic_gather %masked_sort3A_512[%rev3A_521] in [0] : vector<16xi32>, vector<16xi32> -> vector<16xi32>
          %ge3A_523 = arith.cmpf oge, %masked_sort3A_468, %rev3A_517 : vector<16xf32>
          %select_n3A_524 = arith.select %ge3A_523, %masked_sort3A_468, %rev3A_517 : vector<16xi1>, vector<16xf32>
          %select_n3A_525 = arith.select %ge3A_523, %masked_sort3A_469, %rev3A_522 : vector<16xi1>, vector<16xi32>
          %select_n3A_526 = arith.select %ge3A_523, %rev3A_517, %masked_sort3A_468 : vector<16xi1>, vector<16xf32>
          %select_n3A_527 = arith.select %ge3A_523, %rev3A_522, %masked_sort3A_469 : vector<16xi1>, vector<16xi32>
          %masked_sort3A_528 = arith.constant dense<true> : vector<16xi1>
          %masked_sort3A_529, %masked_sort3A_530, %masked_sort3A_531 = tpu.sort %select_n3A_524, %select_n3A_525 masked %masked_sort3A_528 {descending = true} : (vector<16xf32>, vector<16xi32>, vector<16xi1>) -> (vector<16xi1>, vector<16xf32>, vector<16xi32>)
          %masked_sort3A_532 = arith.constant dense<true> : vector<16xi1>
          %masked_sort3A_533, %masked_sort3A_534, %masked_sort3A_535 = tpu.sort %select_n3A_526, %select_n3A_527 masked %masked_sort3A_532 {descending = true} : (vector<16xf32>, vector<16xi32>, vector<16xi1>) -> (vector<16xi1>, vector<16xf32>, vector<16xi32>)
          %reduce_min3A_536 = arith.constant true
          %reduce_min3A_537 = vector.broadcast %reduce_min3A_536 : i1 to vector<16xi1>
          %reduce_min3A_538 = tpu.scan <min>, %masked_sort3A_534 masked %reduce_min3A_537 : vector<16xf32>, vector<16xi1> -> vector<16xf32>
          %reduce_min3A_539 = vector.extract %reduce_min3A_538[15] : f32 from vector<16xf32>
          %gt3A_540 = vector.broadcast %reduce_min3A_539 : f32 to vector<16xf32>
          %gt3A_541 = arith.cmpf ogt, %get3A_195, %gt3A_540 : vector<16xf32>
          %jit3A_542 = arith.constant 0xFF800000 : f32
          %broadcast_in_dim3A_543 = vector.broadcast %jit3A_542 : f32 to vector<16xf32>
          %select_n3A_544 = arith.select %gt3A_541, %get3A_195, %broadcast_in_dim3A_543 : vector<16xi1>, vector<16xf32>
          %mul3A_545 = arith.constant 8 : i32
          %mul3A_546 = arith.muli %scan3A_136, %mul3A_545 : i32
          %add3A_547 = arith.constant 5 : i32
          %add3A_548 = arith.addi %mul3A_546, %add3A_547 : i32
          %mul3A_549 = arith.constant 16 : i32
          %mul3A_550 = arith.muli %add3A_548, %mul3A_549 : i32
          %add3A_551 = arith.addi %mul3A_129, %mul3A_550 : i32
          %add3A_552 = vector.broadcast %add3A_551 : i32 to vector<16xi32>
          %add3A_553 = arith.addi %add3A_552, %iota3A : vector<16xi32>
          %masked_sort3A_554 = arith.constant dense<true> : vector<16xi1>
          %masked_sort3A_555, %masked_sort3A_556, %masked_sort3A_557 = tpu.sort %select_n3A_544, %add3A_553 masked %masked_sort3A_554 {descending = true} : (vector<16xf32>, vector<16xi32>, vector<16xi1>) -> (vector<16xi1>, vector<16xf32>, vector<16xi32>)
          %rev3A_558 = arith.constant 15 : i32
          %rev3A_559 = vector.broadcast %rev3A_558 : i32 to vector<16xi32>
          %rev3A_560 = tpu.iota {dimensions = array<i32: 0>} : vector<16xi32>
          %rev3A_561 = arith.subi %rev3A_559, %rev3A_560 : vector<16xi32>
          %rev3A_562 = tpu.dynamic_gather %masked_sort3A_534[%rev3A_561] in [0] : vector<16xf32>, vector<16xi32> -> vector<16xf32>
          %rev3A_563 = arith.constant 15 : i32
          %rev3A_564 = vector.broadcast %rev3A_563 : i32 to vector<16xi32>
          %rev3A_565 = tpu.iota {dimensions = array<i32: 0>} : vector<16xi32>
          %rev3A_566 = arith.subi %rev3A_564, %rev3A_565 : vector<16xi32>
          %rev3A_567 = tpu.dynamic_gather %masked_sort3A_535[%rev3A_566] in [0] : vector<16xi32>, vector<16xi32> -> vector<16xi32>
          %gt3A_568 = arith.cmpf ogt, %masked_sort3A_556, %rev3A_562 : vector<16xf32>
          %select_n3A_569 = arith.select %gt3A_568, %masked_sort3A_556, %rev3A_562 : vector<16xi1>, vector<16xf32>
          %select_n3A_570 = arith.select %gt3A_568, %masked_sort3A_557, %rev3A_567 : vector<16xi1>, vector<16xi32>
          %masked_sort3A_571 = arith.constant dense<true> : vector<16xi1>
          %masked_sort3A_572, %masked_sort3A_573, %masked_sort3A_574 = tpu.sort %select_n3A_569, %select_n3A_570 masked %masked_sort3A_571 {descending = true} : (vector<16xf32>, vector<16xi32>, vector<16xi1>) -> (vector<16xi1>, vector<16xf32>, vector<16xi32>)
          %rev3A_575 = arith.constant 15 : i32
          %rev3A_576 = vector.broadcast %rev3A_575 : i32 to vector<16xi32>
          %rev3A_577 = tpu.iota {dimensions = array<i32: 0>} : vector<16xi32>
          %rev3A_578 = arith.subi %rev3A_576, %rev3A_577 : vector<16xi32>
          %rev3A_579 = tpu.dynamic_gather %masked_sort3A_573[%rev3A_578] in [0] : vector<16xf32>, vector<16xi32> -> vector<16xf32>
          %rev3A_580 = arith.constant 15 : i32
          %rev3A_581 = vector.broadcast %rev3A_580 : i32 to vector<16xi32>
          %rev3A_582 = tpu.iota {dimensions = array<i32: 0>} : vector<16xi32>
          %rev3A_583 = arith.subi %rev3A_581, %rev3A_582 : vector<16xi32>
          %rev3A_584 = tpu.dynamic_gather %masked_sort3A_574[%rev3A_583] in [0] : vector<16xi32>, vector<16xi32> -> vector<16xi32>
          %ge3A_585 = arith.cmpf oge, %masked_sort3A_530, %rev3A_579 : vector<16xf32>
          %select_n3A_586 = arith.select %ge3A_585, %masked_sort3A_530, %rev3A_579 : vector<16xi1>, vector<16xf32>
          %select_n3A_587 = arith.select %ge3A_585, %masked_sort3A_531, %rev3A_584 : vector<16xi1>, vector<16xi32>
          %select_n3A_588 = arith.select %ge3A_585, %rev3A_579, %masked_sort3A_530 : vector<16xi1>, vector<16xf32>
          %select_n3A_589 = arith.select %ge3A_585, %rev3A_584, %masked_sort3A_531 : vector<16xi1>, vector<16xi32>
          %masked_sort3A_590 = arith.constant dense<true> : vector<16xi1>
          %masked_sort3A_591, %masked_sort3A_592, %masked_sort3A_593 = tpu.sort %select_n3A_586, %select_n3A_587 masked %masked_sort3A_590 {descending = true} : (vector<16xf32>, vector<16xi32>, vector<16xi1>) -> (vector<16xi1>, vector<16xf32>, vector<16xi32>)
          %masked_sort3A_594 = arith.constant dense<true> : vector<16xi1>
          %masked_sort3A_595, %masked_sort3A_596, %masked_sort3A_597 = tpu.sort %select_n3A_588, %select_n3A_589 masked %masked_sort3A_594 {descending = true} : (vector<16xf32>, vector<16xi32>, vector<16xi1>) -> (vector<16xi1>, vector<16xf32>, vector<16xi32>)
          %reduce_min3A_598 = arith.constant true
          %reduce_min3A_599 = vector.broadcast %reduce_min3A_598 : i1 to vector<16xi1>
          %reduce_min3A_600 = tpu.scan <min>, %masked_sort3A_596 masked %reduce_min3A_599 : vector<16xf32>, vector<16xi1> -> vector<16xf32>
          %reduce_min3A_601 = vector.extract %reduce_min3A_600[15] : f32 from vector<16xf32>
          %gt3A_602 = vector.broadcast %reduce_min3A_601 : f32 to vector<16xf32>
          %gt3A_603 = arith.cmpf ogt, %get3A_204, %gt3A_602 : vector<16xf32>
          %jit3A_604 = arith.constant 0xFF800000 : f32
          %broadcast_in_dim3A_605 = vector.broadcast %jit3A_604 : f32 to vector<16xf32>
          %select_n3A_606 = arith.select %gt3A_603, %get3A_204, %broadcast_in_dim3A_605 : vector<16xi1>, vector<16xf32>
          %mul3A_607 = arith.constant 8 : i32
          %mul3A_608 = arith.muli %scan3A_136, %mul3A_607 : i32
          %add3A_609 = arith.constant 6 : i32
          %add3A_610 = arith.addi %mul3A_608, %add3A_609 : i32
          %mul3A_611 = arith.constant 16 : i32
          %mul3A_612 = arith.muli %add3A_610, %mul3A_611 : i32
          %add3A_613 = arith.addi %mul3A_129, %mul3A_612 : i32
          %add3A_614 = vector.broadcast %add3A_613 : i32 to vector<16xi32>
          %add3A_615 = arith.addi %add3A_614, %iota3A : vector<16xi32>
          %masked_sort3A_616 = arith.constant dense<true> : vector<16xi1>
          %masked_sort3A_617, %masked_sort3A_618, %masked_sort3A_619 = tpu.sort %select_n3A_606, %add3A_615 masked %masked_sort3A_616 {descending = true} : (vector<16xf32>, vector<16xi32>, vector<16xi1>) -> (vector<16xi1>, vector<16xf32>, vector<16xi32>)
          %rev3A_620 = arith.constant 15 : i32
          %rev3A_621 = vector.broadcast %rev3A_620 : i32 to vector<16xi32>
          %rev3A_622 = tpu.iota {dimensions = array<i32: 0>} : vector<16xi32>
          %rev3A_623 = arith.subi %rev3A_621, %rev3A_622 : vector<16xi32>
          %rev3A_624 = tpu.dynamic_gather %masked_sort3A_596[%rev3A_623] in [0] : vector<16xf32>, vector<16xi32> -> vector<16xf32>
          %rev3A_625 = arith.constant 15 : i32
          %rev3A_626 = vector.broadcast %rev3A_625 : i32 to vector<16xi32>
          %rev3A_627 = tpu.iota {dimensions = array<i32: 0>} : vector<16xi32>
          %rev3A_628 = arith.subi %rev3A_626, %rev3A_627 : vector<16xi32>
          %rev3A_629 = tpu.dynamic_gather %masked_sort3A_597[%rev3A_628] in [0] : vector<16xi32>, vector<16xi32> -> vector<16xi32>
          %gt3A_630 = arith.cmpf ogt, %masked_sort3A_618, %rev3A_624 : vector<16xf32>
          %select_n3A_631 = arith.select %gt3A_630, %masked_sort3A_618, %rev3A_624 : vector<16xi1>, vector<16xf32>
          %select_n3A_632 = arith.select %gt3A_630, %masked_sort3A_619, %rev3A_629 : vector<16xi1>, vector<16xi32>
          %masked_sort3A_633 = arith.constant dense<true> : vector<16xi1>
          %masked_sort3A_634, %masked_sort3A_635, %masked_sort3A_636 = tpu.sort %select_n3A_631, %select_n3A_632 masked %masked_sort3A_633 {descending = true} : (vector<16xf32>, vector<16xi32>, vector<16xi1>) -> (vector<16xi1>, vector<16xf32>, vector<16xi32>)
          %rev3A_637 = arith.constant 15 : i32
          %rev3A_638 = vector.broadcast %rev3A_637 : i32 to vector<16xi32>
          %rev3A_639 = tpu.iota {dimensions = array<i32: 0>} : vector<16xi32>
          %rev3A_640 = arith.subi %rev3A_638, %rev3A_639 : vector<16xi32>
          %rev3A_641 = tpu.dynamic_gather %masked_sort3A_635[%rev3A_640] in [0] : vector<16xf32>, vector<16xi32> -> vector<16xf32>
          %rev3A_642 = arith.constant 15 : i32
          %rev3A_643 = vector.broadcast %rev3A_642 : i32 to vector<16xi32>
          %rev3A_644 = tpu.iota {dimensions = array<i32: 0>} : vector<16xi32>
          %rev3A_645 = arith.subi %rev3A_643, %rev3A_644 : vector<16xi32>
          %rev3A_646 = tpu.dynamic_gather %masked_sort3A_636[%rev3A_645] in [0] : vector<16xi32>, vector<16xi32> -> vector<16xi32>
          %ge3A_647 = arith.cmpf oge, %masked_sort3A_592, %rev3A_641 : vector<16xf32>
          %select_n3A_648 = arith.select %ge3A_647, %masked_sort3A_592, %rev3A_641 : vector<16xi1>, vector<16xf32>
          %select_n3A_649 = arith.select %ge3A_647, %masked_sort3A_593, %rev3A_646 : vector<16xi1>, vector<16xi32>
          %select_n3A_650 = arith.select %ge3A_647, %rev3A_641, %masked_sort3A_592 : vector<16xi1>, vector<16xf32>
          %select_n3A_651 = arith.select %ge3A_647, %rev3A_646, %masked_sort3A_593 : vector<16xi1>, vector<16xi32>
          %masked_sort3A_652 = arith.constant dense<true> : vector<16xi1>
          %masked_sort3A_653, %masked_sort3A_654, %masked_sort3A_655 = tpu.sort %select_n3A_648, %select_n3A_649 masked %masked_sort3A_652 {descending = true} : (vector<16xf32>, vector<16xi32>, vector<16xi1>) -> (vector<16xi1>, vector<16xf32>, vector<16xi32>)
          %masked_sort3A_656 = arith.constant dense<true> : vector<16xi1>
          %masked_sort3A_657, %masked_sort3A_658, %masked_sort3A_659 = tpu.sort %select_n3A_650, %select_n3A_651 masked %masked_sort3A_656 {descending = true} : (vector<16xf32>, vector<16xi32>, vector<16xi1>) -> (vector<16xi1>, vector<16xf32>, vector<16xi32>)
          %reduce_min3A_660 = arith.constant true
          %reduce_min3A_661 = vector.broadcast %reduce_min3A_660 : i1 to vector<16xi1>
          %reduce_min3A_662 = tpu.scan <min>, %masked_sort3A_658 masked %reduce_min3A_661 : vector<16xf32>, vector<16xi1> -> vector<16xf32>
          %reduce_min3A_663 = vector.extract %reduce_min3A_662[15] : f32 from vector<16xf32>
          %gt3A_664 = vector.broadcast %reduce_min3A_663 : f32 to vector<16xf32>
          %gt3A_665 = arith.cmpf ogt, %get3A_213, %gt3A_664 : vector<16xf32>
          %jit3A_666 = arith.constant 0xFF800000 : f32
          %broadcast_in_dim3A_667 = vector.broadcast %jit3A_666 : f32 to vector<16xf32>
          %select_n3A_668 = arith.select %gt3A_665, %get3A_213, %broadcast_in_dim3A_667 : vector<16xi1>, vector<16xf32>
          %mul3A_669 = arith.constant 8 : i32
          %mul3A_670 = arith.muli %scan3A_136, %mul3A_669 : i32
          %add3A_671 = arith.constant 7 : i32
          %add3A_672 = arith.addi %mul3A_670, %add3A_671 : i32
          %mul3A_673 = arith.constant 16 : i32
          %mul3A_674 = arith.muli %add3A_672, %mul3A_673 : i32
          %add3A_675 = arith.addi %mul3A_129, %mul3A_674 : i32
          %add3A_676 = vector.broadcast %add3A_675 : i32 to vector<16xi32>
          %add3A_677 = arith.addi %add3A_676, %iota3A : vector<16xi32>
          %masked_sort3A_678 = arith.constant dense<true> : vector<16xi1>
          %masked_sort3A_679, %masked_sort3A_680, %masked_sort3A_681 = tpu.sort %select_n3A_668, %add3A_677 masked %masked_sort3A_678 {descending = true} : (vector<16xf32>, vector<16xi32>, vector<16xi1>) -> (vector<16xi1>, vector<16xf32>, vector<16xi32>)
          %rev3A_682 = arith.constant 15 : i32
          %rev3A_683 = vector.broadcast %rev3A_682 : i32 to vector<16xi32>
          %rev3A_684 = tpu.iota {dimensions = array<i32: 0>} : vector<16xi32>
          %rev3A_685 = arith.subi %rev3A_683, %rev3A_684 : vector<16xi32>
          %rev3A_686 = tpu.dynamic_gather %masked_sort3A_658[%rev3A_685] in [0] : vector<16xf32>, vector<16xi32> -> vector<16xf32>
          %rev3A_687 = arith.constant 15 : i32
          %rev3A_688 = vector.broadcast %rev3A_687 : i32 to vector<16xi32>
          %rev3A_689 = tpu.iota {dimensions = array<i32: 0>} : vector<16xi32>
          %rev3A_690 = arith.subi %rev3A_688, %rev3A_689 : vector<16xi32>
          %rev3A_691 = tpu.dynamic_gather %masked_sort3A_659[%rev3A_690] in [0] : vector<16xi32>, vector<16xi32> -> vector<16xi32>
          %gt3A_692 = arith.cmpf ogt, %masked_sort3A_680, %rev3A_686 : vector<16xf32>
          %select_n3A_693 = arith.select %gt3A_692, %masked_sort3A_680, %rev3A_686 : vector<16xi1>, vector<16xf32>
          %select_n3A_694 = arith.select %gt3A_692, %masked_sort3A_681, %rev3A_691 : vector<16xi1>, vector<16xi32>
          %masked_sort3A_695 = arith.constant dense<true> : vector<16xi1>
          %masked_sort3A_696, %masked_sort3A_697, %masked_sort3A_698 = tpu.sort %select_n3A_693, %select_n3A_694 masked %masked_sort3A_695 {descending = true} : (vector<16xf32>, vector<16xi32>, vector<16xi1>) -> (vector<16xi1>, vector<16xf32>, vector<16xi32>)
          %rev3A_699 = arith.constant 15 : i32
          %rev3A_700 = vector.broadcast %rev3A_699 : i32 to vector<16xi32>
          %rev3A_701 = tpu.iota {dimensions = array<i32: 0>} : vector<16xi32>
          %rev3A_702 = arith.subi %rev3A_700, %rev3A_701 : vector<16xi32>
          %rev3A_703 = tpu.dynamic_gather %masked_sort3A_697[%rev3A_702] in [0] : vector<16xf32>, vector<16xi32> -> vector<16xf32>
          %rev3A_704 = arith.constant 15 : i32
          %rev3A_705 = vector.broadcast %rev3A_704 : i32 to vector<16xi32>
          %rev3A_706 = tpu.iota {dimensions = array<i32: 0>} : vector<16xi32>
          %rev3A_707 = arith.subi %rev3A_705, %rev3A_706 : vector<16xi32>
          %rev3A_708 = tpu.dynamic_gather %masked_sort3A_698[%rev3A_707] in [0] : vector<16xi32>, vector<16xi32> -> vector<16xi32>
          %ge3A_709 = arith.cmpf oge, %masked_sort3A_654, %rev3A_703 : vector<16xf32>
          %select_n3A_710 = arith.select %ge3A_709, %masked_sort3A_654, %rev3A_703 : vector<16xi1>, vector<16xf32>
          %select_n3A_711 = arith.select %ge3A_709, %masked_sort3A_655, %rev3A_708 : vector<16xi1>, vector<16xi32>
          %select_n3A_712 = arith.select %ge3A_709, %rev3A_703, %masked_sort3A_654 : vector<16xi1>, vector<16xf32>
          %select_n3A_713 = arith.select %ge3A_709, %rev3A_708, %masked_sort3A_655 : vector<16xi1>, vector<16xi32>
          %masked_sort3A_714 = arith.constant dense<true> : vector<16xi1>
          %masked_sort3A_715, %masked_sort3A_716, %masked_sort3A_717 = tpu.sort %select_n3A_710, %select_n3A_711 masked %masked_sort3A_714 {descending = true} : (vector<16xf32>, vector<16xi32>, vector<16xi1>) -> (vector<16xi1>, vector<16xf32>, vector<16xi32>)
          %masked_sort3A_718 = arith.constant dense<true> : vector<16xi1>
          %masked_sort3A_719, %masked_sort3A_720, %masked_sort3A_721 = tpu.sort %select_n3A_712, %select_n3A_713 masked %masked_sort3A_718 {descending = true} : (vector<16xf32>, vector<16xi32>, vector<16xi1>) -> (vector<16xi1>, vector<16xf32>, vector<16xi32>)
          %reduce_min3A_722 = arith.constant true
          %reduce_min3A_723 = vector.broadcast %reduce_min3A_722 : i1 to vector<16xi1>
          %reduce_min3A_724 = tpu.scan <min>, %masked_sort3A_720 masked %reduce_min3A_723 : vector<16xf32>, vector<16xi1> -> vector<16xf32>
          %reduce_min3A_725 = vector.extract %reduce_min3A_724[15] : f32 from vector<16xf32>
          scf.yield %masked_sort3A_716, %masked_sort3A_717, %masked_sort3A_720, %masked_sort3A_721, %reduce_min3A_725 : vector<16xf32>, vector<16xi32>, vector<16xf32>, vector<16xi32>, f32
        } else {
          scf.yield %scan3A_137, %scan3A_138, %scan3A_139, %scan3A_140, %scan3A_141 : vector<16xf32>, vector<16xi32>, vector<16xf32>, vector<16xi32>, f32
        }
        scf.yield %cond3A_232#0, %cond3A_232#1, %cond3A_232#2, %cond3A_232#3, %cond3A_232#4 : vector<16xf32>, vector<16xi32>, vector<16xf32>, vector<16xi32>, f32
      }
      %scan3A_135 = arith.constant 98 : i32
      scf.yield %scan3A_134#0, %scan3A_134#1, %scan3A_134#2, %scan3A_134#3, %scan3A_134#4 : vector<16xf32>, vector<16xi32>, vector<16xf32>, vector<16xi32>, f32
    }
    %scan3A_45 = arith.constant 8 : i32
    %swap3A = arith.constant 0 : index
    %swap3A_46 = tpu.vector_load %arg6[%swap3A] {strides = array<i32>} : memref<32xi32, #tpu.memory_space<vmem>>, vector<16xi32>,
    tpu.vector_store %arg6[%swap3A], %scan3A_44#1 {strides = array<i32>} : memref<32xi32, #tpu.memory_space<vmem>>, vector<16xi32>,
    %swap3A_47 = arith.constant 16 : index
    %swap3A_48 = tpu.vector_load %arg6[%swap3A_47] {strides = array<i32>} : memref<32xi32, #tpu.memory_space<vmem>>, vector<16xi32>,
    tpu.vector_store %arg6[%swap3A_47], %scan3A_44#3 {strides = array<i32>} : memref<32xi32, #tpu.memory_space<vmem>>, vector<16xi32>,
    %dma_start3A = arith.constant 0 : i32
    %dma_start3A_49 = tpu.memref_slice %arg3[%dma_start3A] : memref<100000xf32, #tpu.memory_space<hbm>> -> memref<100000xf32, #tpu.memory_space<hbm>>
    tpu.enqueue_indirect_dma source(%dma_start3A_49 : memref<100000xf32, #tpu.memory_space<hbm>>) target(%arg7 : memref<32xf32, #tpu.memory_space<vmem>>) offsets(%arg6 : memref<32xi32, #tpu.memory_space<vmem>>) semaphore(%arg9 : memref<!tpu.dma_semaphore, #tpu.memory_space<semaphore_mem>>)
    %dma_wait3A = arith.constant 0 : i32
    %dma_wait3A_50 = tpu.memref_slice %arg3[%dma_wait3A] : memref<100000xf32, #tpu.memory_space<hbm>> -> memref<100000xf32, #tpu.memory_space<hbm>>
    tpu.wait_indirect_dma semaphore(%arg9 : memref<!tpu.dma_semaphore, #tpu.memory_space<semaphore_mem>>) src(%dma_wait3A_50 : memref<100000xf32, #tpu.memory_space<hbm>>) dst(%arg7 : memref<32xf32, #tpu.memory_space<vmem>>)
    %get3A = arith.constant 0 : index
    %get3A_51 = tpu.vector_load %arg7[%get3A] {strides = array<i32>} : memref<32xf32, #tpu.memory_space<vmem>>, vector<16xf32>,
    %get3A_52 = arith.constant 16 : index
    %get3A_53 = tpu.vector_load %arg7[%get3A_52] {strides = array<i32>} : memref<32xf32, #tpu.memory_space<vmem>>, vector<16xf32>,
    %reduce_min3A = arith.constant true
    %reduce_min3A_54 = vector.broadcast %reduce_min3A : i1 to vector<16xi1>
    %reduce_min3A_55 = tpu.scan <min>, %scan3A_44#2 masked %reduce_min3A_54 : vector<16xf32>, vector<16xi1> -> vector<16xf32>
    %reduce_min3A_56 = vector.extract %reduce_min3A_55[15] : f32 from vector<16xf32>
    %reduce_sum3A = arith.constant true
    %reduce_sum3A_57 = vector.broadcast %reduce_sum3A : i1 to vector<16xi1>
    %reduce_sum3A_58 = tpu.scan <sum>, %scan3A_44#0 masked %reduce_sum3A_57 : vector<16xf32>, vector<16xi1> -> vector<16xf32>
    %reduce_sum3A_59 = vector.extract %reduce_sum3A_58[15] : f32 from vector<16xf32>
    %reduce_sum3A_60 = arith.constant true
    %reduce_sum3A_61 = vector.broadcast %reduce_sum3A_60 : i1 to vector<16xi1>
    %reduce_sum3A_62 = tpu.scan <sum>, %scan3A_44#2 masked %reduce_sum3A_61 : vector<16xf32>, vector<16xi1> -> vector<16xf32>
    %reduce_sum3A_63 = vector.extract %reduce_sum3A_62[15] : f32 from vector<16xf32>
    %add3A_64 = arith.addf %reduce_sum3A_59, %reduce_sum3A_63 : f32
    %reduce_sum3A_65 = arith.constant true
    %reduce_sum3A_66 = vector.broadcast %reduce_sum3A_65 : i1 to vector<16xi1>
    %reduce_sum3A_67 = tpu.scan <sum>, %get3A_51 masked %reduce_sum3A_66 : vector<16xf32>, vector<16xi1> -> vector<16xf32>
    %reduce_sum3A_68 = vector.extract %reduce_sum3A_67[15] : f32 from vector<16xf32>
    %reduce_sum3A_69 = arith.constant true
    %reduce_sum3A_70 = vector.broadcast %reduce_sum3A_69 : i1 to vector<16xi1>
    %reduce_sum3A_71 = tpu.scan <sum>, %get3A_53 masked %reduce_sum3A_70 : vector<16xf32>, vector<16xi1> -> vector<16xf32>
    %reduce_sum3A_72 = vector.extract %reduce_sum3A_71[15] : f32 from vector<16xf32>
    %add3A_73 = arith.addf %reduce_sum3A_68, %reduce_sum3A_72 : f32
    %mul3A_74 = arith.mulf %scan3A_44#0, %get3A_51 : vector<16xf32>
    %reduce_sum3A_75 = arith.constant true
    %reduce_sum3A_76 = vector.broadcast %reduce_sum3A_75 : i1 to vector<16xi1>
    %reduce_sum3A_77 = tpu.scan <sum>, %mul3A_74 masked %reduce_sum3A_76 : vector<16xf32>, vector<16xi1> -> vector<16xf32>
    %reduce_sum3A_78 = vector.extract %reduce_sum3A_77[15] : f32 from vector<16xf32>
    %mul3A_79 = arith.mulf %scan3A_44#2, %get3A_53 : vector<16xf32>
    %reduce_sum3A_80 = arith.constant true
    %reduce_sum3A_81 = vector.broadcast %reduce_sum3A_80 : i1 to vector<16xi1>
    %reduce_sum3A_82 = tpu.scan <sum>, %mul3A_79 masked %reduce_sum3A_81 : vector<16xf32>, vector<16xi1> -> vector<16xf32>
    %reduce_sum3A_83 = vector.extract %reduce_sum3A_82[15] : f32 from vector<16xf32>
    %add3A_84 = arith.addf %reduce_sum3A_78, %reduce_sum3A_83 : f32
    %broadcast_in_dim3A_85 = vector.broadcast %add3A_64 : f32 to vector<16xf32>
    %add3A_86 = arith.constant 1.000000e-10 : f32
    %add3A_87 = vector.broadcast %add3A_86 : f32 to vector<16xf32>
    %add3A_88 = arith.addf %broadcast_in_dim3A_85, %add3A_87 : vector<16xf32>
    %div3A_89 = arith.constant 1.000000e+00 : f32
    %div3A_90 = vector.broadcast %div3A_89 : f32 to vector<16xf32>
    %div3A_91 = arith.divf %div3A_90, %add3A_88 : vector<16xf32>
    %broadcast_in_dim3A_92 = vector.broadcast %add3A_84 : f32 to vector<16xf32>
    %mul3A_93 = arith.mulf %broadcast_in_dim3A_92, %div3A_91 : vector<16xf32>
    %eq3A_94 = arith.constant 0 : i32
    %eq3A_95 = vector.broadcast %eq3A_94 : i32 to vector<16xi32>
    %eq3A_96 = arith.cmpi eq, %iota3A, %eq3A_95 : vector<16xi32>
    %broadcast_in_dim3A_97 = vector.broadcast %reduce_min3A_56 : f32 to vector<16xf32>
    %eq3A_98 = arith.constant 1 : i32
    %eq3A_99 = vector.broadcast %eq3A_98 : i32 to vector<16xi32>
    %eq3A_100 = arith.cmpi eq, %iota3A, %eq3A_99 : vector<16xi32>
    %mul3A_101 = arith.constant 3.125000e-02 : f32
    %mul3A_102 = arith.mulf %add3A_73, %mul3A_101 : f32
    %broadcast_in_dim3A_103 = vector.broadcast %mul3A_102 : f32 to vector<16xf32>
    %eq3A_104 = arith.constant 2 : i32
    %eq3A_105 = vector.broadcast %eq3A_104 : i32 to vector<16xi32>
    %eq3A_106 = arith.cmpi eq, %iota3A, %eq3A_105 : vector<16xi32>
    %eq3A_107 = arith.constant 3 : i32
    %eq3A_108 = vector.broadcast %eq3A_107 : i32 to vector<16xi32>
    %eq3A_109 = arith.cmpi eq, %iota3A, %eq3A_108 : vector<16xi32>
    %jit3A_110 = arith.constant 0.000000e+00 : f32
    %broadcast_in_dim3A_111 = vector.broadcast %jit3A_110 : f32 to vector<16xf32>
    %select_n3A_112 = arith.select %eq3A_109, %div3A_91, %broadcast_in_dim3A_111 : vector<16xi1>, vector<16xf32>
    %select_n3A_113 = arith.select %eq3A_106, %mul3A_93, %select_n3A_112 : vector<16xi1>, vector<16xf32>
    %select_n3A_114 = arith.select %eq3A_100, %broadcast_in_dim3A_103, %select_n3A_113 : vector<16xi1>, vector<16xf32>
    %select_n3A_115 = arith.select %eq3A_96, %broadcast_in_dim3A_97, %select_n3A_114 : vector<16xi1>, vector<16xf32>
    %swap3A_116 = arith.constant 0 : index
    %swap3A_117 = tpu.vector_load %arg8[%swap3A_116] {strides = array<i32>} : memref<16xf32, #tpu.memory_space<vmem>>, vector<16xf32>,
    tpu.vector_store %arg8[%swap3A_116], %select_n3A_115 {strides = array<i32>} : memref<16xf32, #tpu.memory_space<vmem>>, vector<16xf32>,
    %mul3A_118 = arith.constant 16 : i32
    %mul3A_119 = arith.muli %add3A, %mul3A_118 : i32
    "tpu.region"() ({
      %run_scoped3A = tpu.sem_alloc : memref<!tpu.dma_semaphore, #tpu.memory_space<semaphore_mem>>
      %dma_start3A_120 = tpu.memref_slice %arg4[%mul3A_119] : memref<512xf32, #tpu.memory_space<hbm>> -> memref<16xf32, #tpu.memory_space<hbm>>
      %dma_start3A_121 = tpu.memref_slice %arg4[%mul3A_119] : memref<512xf32, #tpu.memory_space<hbm>> -> memref<16xf32, #tpu.memory_space<hbm>>
      tpu.enqueue_dma source(%arg8 : memref<16xf32, #tpu.memory_space<vmem>>) target(%dma_start3A_121 : memref<16xf32, #tpu.memory_space<hbm>>) target_semaphore(%run_scoped3A : memref<!tpu.dma_semaphore, #tpu.memory_space<semaphore_mem>>)
      %dma_wait3A_122 = tpu.memref_slice %arg4[%mul3A_119] : memref<512xf32, #tpu.memory_space<hbm>> -> memref<16xf32, #tpu.memory_space<hbm>>
      %dma_wait3A_123 = tpu.memref_slice %arg4[%mul3A_119] : memref<512xf32, #tpu.memory_space<hbm>> -> memref<16xf32, #tpu.memory_space<hbm>>
      tpu.wait_dma2 semaphore(%run_scoped3A : memref<!tpu.dma_semaphore, #tpu.memory_space<semaphore_mem>>) src(%arg8 : memref<16xf32, #tpu.memory_space<vmem>>) dst(%dma_wait3A_123 : memref<16xf32, #tpu.memory_space<hbm>>)
      tpu.yield
    }) : () -> ()
    return
  }
}

module attributes {stable_mosaic.version = 14 : i64} {
  func.func @_fa_ca_body(%arg0: i32, %arg1: memref<32x16xf32, #tpu.memory_space<vmem>>, %arg2: memref<16x2048xf32, #tpu.memory_space<vmem>>, %arg3: memref<32x16x2048xf32, #tpu.memory_space<vmem>>, %arg4: memref<32x2048xf32, #tpu.memory_space<vmem>>) attributes {dimension_semantics = [#tpu.dimension_semantics<arbitrary>], iteration_bounds = array<i64: 49>, scalar_prefetch = 0 : i64, scratch_operands = 0 : i64, tpu.core_type = #tpu.core_type<tc>, window_params = [{pipeline_mode = #tpu.pipeline_mode<synchronous>, transform_indices = @transform_0, window_bounds = array<i64: 32, 16>}, {transform_indices = @transform_1, window_bounds = array<i64: 16, 2048>}, {transform_indices = @transform_2, window_bounds = array<i64: 32, 16, 2048>}, {transform_indices = @transform_3, window_bounds = array<i64: 32, 2048>}]} {
    %broadcast_in_dim3A = arith.constant 0.000000e+00 : f32
    %broadcast_in_dim3A_0 = vector.broadcast %broadcast_in_dim3A : f32 to vector<32x2048xf32>
    %get3A = arith.constant 0 : index
    %get3A_1 = arith.constant 0 : index
    %get3A_2 = vector.load %arg1[%get3A, %get3A_1] : memref<32x16xf32, #tpu.memory_space<vmem>>, vector<32x1xf32>
    %get3A_3 = arith.constant 0 : index
    %get3A_4 = arith.constant 0 : index
    %get3A_5 = vector.load %arg2[%get3A_3, %get3A_4] : memref<16x2048xf32, #tpu.memory_space<vmem>>, vector<1x2048xf32>
    %sub3A = vector.broadcast %get3A_2 : vector<32x1xf32> to vector<32x2048xf32>
    %sub3A_6 = vector.broadcast %get3A_5 : vector<1x2048xf32> to vector<32x2048xf32>
    %sub3A_7 = arith.subf %sub3A, %sub3A_6 : vector<32x2048xf32>
    %abs3A = math.absf %sub3A_7 : vector<32x2048xf32>
    %neg3A = arith.constant 0.000000e+00 : f32
    %neg3A_8 = vector.broadcast %neg3A : f32 to vector<32x2048xf32>
    %neg3A_9 = arith.subf %neg3A_8, %abs3A : vector<32x2048xf32>
    %exp3A = math.exp %neg3A_9 : vector<32x2048xf32>
    %broadcast_in_dim3A_10 = vector.shape_cast %exp3A : vector<32x2048xf32> to vector<32x1x2048xf32>
    %swap3A = arith.constant 0 : index
    %swap3A_11 = arith.constant 0 : index
    %swap3A_12 = arith.constant 0 : index
    %swap3A_13 = vector.load %arg3[%swap3A, %swap3A_11, %swap3A_12] : memref<32x16x2048xf32, #tpu.memory_space<vmem>>, vector<32x1x2048xf32>
    tpu.vector_store %arg3[%swap3A, %swap3A_11, %swap3A_12], %broadcast_in_dim3A_10 {strides = array<i32>} : memref<32x16x2048xf32, #tpu.memory_space<vmem>>, vector<32x1x2048xf32>,
    %add3A = arith.addf %broadcast_in_dim3A_0, %exp3A : vector<32x2048xf32>
    %get3A_14 = arith.constant 0 : index
    %get3A_15 = arith.constant 1 : index
    %get3A_16 = vector.load %arg1[%get3A_14, %get3A_15] : memref<32x16xf32, #tpu.memory_space<vmem>>, vector<32x1xf32>
    %get3A_17 = arith.constant 1 : index
    %get3A_18 = arith.constant 0 : index
    %get3A_19 = vector.load %arg2[%get3A_17, %get3A_18] : memref<16x2048xf32, #tpu.memory_space<vmem>>, vector<1x2048xf32>
    %sub3A_20 = vector.broadcast %get3A_16 : vector<32x1xf32> to vector<32x2048xf32>
    %sub3A_21 = vector.broadcast %get3A_19 : vector<1x2048xf32> to vector<32x2048xf32>
    %sub3A_22 = arith.subf %sub3A_20, %sub3A_21 : vector<32x2048xf32>
    %abs3A_23 = math.absf %sub3A_22 : vector<32x2048xf32>
    %neg3A_24 = arith.constant 0.000000e+00 : f32
    %neg3A_25 = vector.broadcast %neg3A_24 : f32 to vector<32x2048xf32>
    %neg3A_26 = arith.subf %neg3A_25, %abs3A_23 : vector<32x2048xf32>
    %exp3A_27 = math.exp %neg3A_26 : vector<32x2048xf32>
    %broadcast_in_dim3A_28 = vector.shape_cast %exp3A_27 : vector<32x2048xf32> to vector<32x1x2048xf32>
    %swap3A_29 = arith.constant 0 : index
    %swap3A_30 = arith.constant 1 : index
    %swap3A_31 = arith.constant 0 : index
    %swap3A_32 = vector.load %arg3[%swap3A_29, %swap3A_30, %swap3A_31] : memref<32x16x2048xf32, #tpu.memory_space<vmem>>, vector<32x1x2048xf32>
    tpu.vector_store %arg3[%swap3A_29, %swap3A_30, %swap3A_31], %broadcast_in_dim3A_28 {strides = array<i32>} : memref<32x16x2048xf32, #tpu.memory_space<vmem>>, vector<32x1x2048xf32>,
    %add3A_33 = arith.addf %add3A, %exp3A_27 : vector<32x2048xf32>
    %get3A_34 = arith.constant 0 : index
    %get3A_35 = arith.constant 2 : index
    %get3A_36 = vector.load %arg1[%get3A_34, %get3A_35] : memref<32x16xf32, #tpu.memory_space<vmem>>, vector<32x1xf32>
    %get3A_37 = arith.constant 2 : index
    %get3A_38 = arith.constant 0 : index
    %get3A_39 = vector.load %arg2[%get3A_37, %get3A_38] : memref<16x2048xf32, #tpu.memory_space<vmem>>, vector<1x2048xf32>
    %sub3A_40 = vector.broadcast %get3A_36 : vector<32x1xf32> to vector<32x2048xf32>
    %sub3A_41 = vector.broadcast %get3A_39 : vector<1x2048xf32> to vector<32x2048xf32>
    %sub3A_42 = arith.subf %sub3A_40, %sub3A_41 : vector<32x2048xf32>
    %abs3A_43 = math.absf %sub3A_42 : vector<32x2048xf32>
    %neg3A_44 = arith.constant 0.000000e+00 : f32
    %neg3A_45 = vector.broadcast %neg3A_44 : f32 to vector<32x2048xf32>
    %neg3A_46 = arith.subf %neg3A_45, %abs3A_43 : vector<32x2048xf32>
    %exp3A_47 = math.exp %neg3A_46 : vector<32x2048xf32>
    %broadcast_in_dim3A_48 = vector.shape_cast %exp3A_47 : vector<32x2048xf32> to vector<32x1x2048xf32>
    %swap3A_49 = arith.constant 0 : index
    %swap3A_50 = arith.constant 2 : index
    %swap3A_51 = arith.constant 0 : index
    %swap3A_52 = vector.load %arg3[%swap3A_49, %swap3A_50, %swap3A_51] : memref<32x16x2048xf32, #tpu.memory_space<vmem>>, vector<32x1x2048xf32>
    tpu.vector_store %arg3[%swap3A_49, %swap3A_50, %swap3A_51], %broadcast_in_dim3A_48 {strides = array<i32>} : memref<32x16x2048xf32, #tpu.memory_space<vmem>>, vector<32x1x2048xf32>,
    %add3A_53 = arith.addf %add3A_33, %exp3A_47 : vector<32x2048xf32>
    %get3A_54 = arith.constant 0 : index
    %get3A_55 = arith.constant 3 : index
    %get3A_56 = vector.load %arg1[%get3A_54, %get3A_55] : memref<32x16xf32, #tpu.memory_space<vmem>>, vector<32x1xf32>
    %get3A_57 = arith.constant 3 : index
    %get3A_58 = arith.constant 0 : index
    %get3A_59 = vector.load %arg2[%get3A_57, %get3A_58] : memref<16x2048xf32, #tpu.memory_space<vmem>>, vector<1x2048xf32>
    %sub3A_60 = vector.broadcast %get3A_56 : vector<32x1xf32> to vector<32x2048xf32>
    %sub3A_61 = vector.broadcast %get3A_59 : vector<1x2048xf32> to vector<32x2048xf32>
    %sub3A_62 = arith.subf %sub3A_60, %sub3A_61 : vector<32x2048xf32>
    %abs3A_63 = math.absf %sub3A_62 : vector<32x2048xf32>
    %neg3A_64 = arith.constant 0.000000e+00 : f32
    %neg3A_65 = vector.broadcast %neg3A_64 : f32 to vector<32x2048xf32>
    %neg3A_66 = arith.subf %neg3A_65, %abs3A_63 : vector<32x2048xf32>
    %exp3A_67 = math.exp %neg3A_66 : vector<32x2048xf32>
    %broadcast_in_dim3A_68 = vector.shape_cast %exp3A_67 : vector<32x2048xf32> to vector<32x1x2048xf32>
    %swap3A_69 = arith.constant 0 : index
    %swap3A_70 = arith.constant 3 : index
    %swap3A_71 = arith.constant 0 : index
    %swap3A_72 = vector.load %arg3[%swap3A_69, %swap3A_70, %swap3A_71] : memref<32x16x2048xf32, #tpu.memory_space<vmem>>, vector<32x1x2048xf32>
    tpu.vector_store %arg3[%swap3A_69, %swap3A_70, %swap3A_71], %broadcast_in_dim3A_68 {strides = array<i32>} : memref<32x16x2048xf32, #tpu.memory_space<vmem>>, vector<32x1x2048xf32>,
    %add3A_73 = arith.addf %add3A_53, %exp3A_67 : vector<32x2048xf32>
    %get3A_74 = arith.constant 0 : index
    %get3A_75 = arith.constant 4 : index
    %get3A_76 = vector.load %arg1[%get3A_74, %get3A_75] : memref<32x16xf32, #tpu.memory_space<vmem>>, vector<32x1xf32>
    %get3A_77 = arith.constant 4 : index
    %get3A_78 = arith.constant 0 : index
    %get3A_79 = vector.load %arg2[%get3A_77, %get3A_78] : memref<16x2048xf32, #tpu.memory_space<vmem>>, vector<1x2048xf32>
    %sub3A_80 = vector.broadcast %get3A_76 : vector<32x1xf32> to vector<32x2048xf32>
    %sub3A_81 = vector.broadcast %get3A_79 : vector<1x2048xf32> to vector<32x2048xf32>
    %sub3A_82 = arith.subf %sub3A_80, %sub3A_81 : vector<32x2048xf32>
    %abs3A_83 = math.absf %sub3A_82 : vector<32x2048xf32>
    %neg3A_84 = arith.constant 0.000000e+00 : f32
    %neg3A_85 = vector.broadcast %neg3A_84 : f32 to vector<32x2048xf32>
    %neg3A_86 = arith.subf %neg3A_85, %abs3A_83 : vector<32x2048xf32>
    %exp3A_87 = math.exp %neg3A_86 : vector<32x2048xf32>
    %broadcast_in_dim3A_88 = vector.shape_cast %exp3A_87 : vector<32x2048xf32> to vector<32x1x2048xf32>
    %swap3A_89 = arith.constant 0 : index
    %swap3A_90 = arith.constant 4 : index
    %swap3A_91 = arith.constant 0 : index
    %swap3A_92 = vector.load %arg3[%swap3A_89, %swap3A_90, %swap3A_91] : memref<32x16x2048xf32, #tpu.memory_space<vmem>>, vector<32x1x2048xf32>
    tpu.vector_store %arg3[%swap3A_89, %swap3A_90, %swap3A_91], %broadcast_in_dim3A_88 {strides = array<i32>} : memref<32x16x2048xf32, #tpu.memory_space<vmem>>, vector<32x1x2048xf32>,
    %add3A_93 = arith.addf %add3A_73, %exp3A_87 : vector<32x2048xf32>
    %get3A_94 = arith.constant 0 : index
    %get3A_95 = arith.constant 5 : index
    %get3A_96 = vector.load %arg1[%get3A_94, %get3A_95] : memref<32x16xf32, #tpu.memory_space<vmem>>, vector<32x1xf32>
    %get3A_97 = arith.constant 5 : index
    %get3A_98 = arith.constant 0 : index
    %get3A_99 = vector.load %arg2[%get3A_97, %get3A_98] : memref<16x2048xf32, #tpu.memory_space<vmem>>, vector<1x2048xf32>
    %sub3A_100 = vector.broadcast %get3A_96 : vector<32x1xf32> to vector<32x2048xf32>
    %sub3A_101 = vector.broadcast %get3A_99 : vector<1x2048xf32> to vector<32x2048xf32>
    %sub3A_102 = arith.subf %sub3A_100, %sub3A_101 : vector<32x2048xf32>
    %abs3A_103 = math.absf %sub3A_102 : vector<32x2048xf32>
    %neg3A_104 = arith.constant 0.000000e+00 : f32
    %neg3A_105 = vector.broadcast %neg3A_104 : f32 to vector<32x2048xf32>
    %neg3A_106 = arith.subf %neg3A_105, %abs3A_103 : vector<32x2048xf32>
    %exp3A_107 = math.exp %neg3A_106 : vector<32x2048xf32>
    %broadcast_in_dim3A_108 = vector.shape_cast %exp3A_107 : vector<32x2048xf32> to vector<32x1x2048xf32>
    %swap3A_109 = arith.constant 0 : index
    %swap3A_110 = arith.constant 5 : index
    %swap3A_111 = arith.constant 0 : index
    %swap3A_112 = vector.load %arg3[%swap3A_109, %swap3A_110, %swap3A_111] : memref<32x16x2048xf32, #tpu.memory_space<vmem>>, vector<32x1x2048xf32>
    tpu.vector_store %arg3[%swap3A_109, %swap3A_110, %swap3A_111], %broadcast_in_dim3A_108 {strides = array<i32>} : memref<32x16x2048xf32, #tpu.memory_space<vmem>>, vector<32x1x2048xf32>,
    %add3A_113 = arith.addf %add3A_93, %exp3A_107 : vector<32x2048xf32>
    %get3A_114 = arith.constant 0 : index
    %get3A_115 = arith.constant 6 : index
    %get3A_116 = vector.load %arg1[%get3A_114, %get3A_115] : memref<32x16xf32, #tpu.memory_space<vmem>>, vector<32x1xf32>
    %get3A_117 = arith.constant 6 : index
    %get3A_118 = arith.constant 0 : index
    %get3A_119 = vector.load %arg2[%get3A_117, %get3A_118] : memref<16x2048xf32, #tpu.memory_space<vmem>>, vector<1x2048xf32>
    %sub3A_120 = vector.broadcast %get3A_116 : vector<32x1xf32> to vector<32x2048xf32>
    %sub3A_121 = vector.broadcast %get3A_119 : vector<1x2048xf32> to vector<32x2048xf32>
    %sub3A_122 = arith.subf %sub3A_120, %sub3A_121 : vector<32x2048xf32>
    %abs3A_123 = math.absf %sub3A_122 : vector<32x2048xf32>
    %neg3A_124 = arith.constant 0.000000e+00 : f32
    %neg3A_125 = vector.broadcast %neg3A_124 : f32 to vector<32x2048xf32>
    %neg3A_126 = arith.subf %neg3A_125, %abs3A_123 : vector<32x2048xf32>
    %exp3A_127 = math.exp %neg3A_126 : vector<32x2048xf32>
    %broadcast_in_dim3A_128 = vector.shape_cast %exp3A_127 : vector<32x2048xf32> to vector<32x1x2048xf32>
    %swap3A_129 = arith.constant 0 : index
    %swap3A_130 = arith.constant 6 : index
    %swap3A_131 = arith.constant 0 : index
    %swap3A_132 = vector.load %arg3[%swap3A_129, %swap3A_130, %swap3A_131] : memref<32x16x2048xf32, #tpu.memory_space<vmem>>, vector<32x1x2048xf32>
    tpu.vector_store %arg3[%swap3A_129, %swap3A_130, %swap3A_131], %broadcast_in_dim3A_128 {strides = array<i32>} : memref<32x16x2048xf32, #tpu.memory_space<vmem>>, vector<32x1x2048xf32>,
    %add3A_133 = arith.addf %add3A_113, %exp3A_127 : vector<32x2048xf32>
    %get3A_134 = arith.constant 0 : index
    %get3A_135 = arith.constant 7 : index
    %get3A_136 = vector.load %arg1[%get3A_134, %get3A_135] : memref<32x16xf32, #tpu.memory_space<vmem>>, vector<32x1xf32>
    %get3A_137 = arith.constant 7 : index
    %get3A_138 = arith.constant 0 : index
    %get3A_139 = vector.load %arg2[%get3A_137, %get3A_138] : memref<16x2048xf32, #tpu.memory_space<vmem>>, vector<1x2048xf32>
    %sub3A_140 = vector.broadcast %get3A_136 : vector<32x1xf32> to vector<32x2048xf32>
    %sub3A_141 = vector.broadcast %get3A_139 : vector<1x2048xf32> to vector<32x2048xf32>
    %sub3A_142 = arith.subf %sub3A_140, %sub3A_141 : vector<32x2048xf32>
    %abs3A_143 = math.absf %sub3A_142 : vector<32x2048xf32>
    %neg3A_144 = arith.constant 0.000000e+00 : f32
    %neg3A_145 = vector.broadcast %neg3A_144 : f32 to vector<32x2048xf32>
    %neg3A_146 = arith.subf %neg3A_145, %abs3A_143 : vector<32x2048xf32>
    %exp3A_147 = math.exp %neg3A_146 : vector<32x2048xf32>
    %broadcast_in_dim3A_148 = vector.shape_cast %exp3A_147 : vector<32x2048xf32> to vector<32x1x2048xf32>
    %swap3A_149 = arith.constant 0 : index
    %swap3A_150 = arith.constant 7 : index
    %swap3A_151 = arith.constant 0 : index
    %swap3A_152 = vector.load %arg3[%swap3A_149, %swap3A_150, %swap3A_151] : memref<32x16x2048xf32, #tpu.memory_space<vmem>>, vector<32x1x2048xf32>
    tpu.vector_store %arg3[%swap3A_149, %swap3A_150, %swap3A_151], %broadcast_in_dim3A_148 {strides = array<i32>} : memref<32x16x2048xf32, #tpu.memory_space<vmem>>, vector<32x1x2048xf32>,
    %add3A_153 = arith.addf %add3A_133, %exp3A_147 : vector<32x2048xf32>
    %get3A_154 = arith.constant 0 : index
    %get3A_155 = arith.constant 8 : index
    %get3A_156 = vector.load %arg1[%get3A_154, %get3A_155] : memref<32x16xf32, #tpu.memory_space<vmem>>, vector<32x1xf32>
    %get3A_157 = arith.constant 8 : index
    %get3A_158 = arith.constant 0 : index
    %get3A_159 = vector.load %arg2[%get3A_157, %get3A_158] : memref<16x2048xf32, #tpu.memory_space<vmem>>, vector<1x2048xf32>
    %sub3A_160 = vector.broadcast %get3A_156 : vector<32x1xf32> to vector<32x2048xf32>
    %sub3A_161 = vector.broadcast %get3A_159 : vector<1x2048xf32> to vector<32x2048xf32>
    %sub3A_162 = arith.subf %sub3A_160, %sub3A_161 : vector<32x2048xf32>
    %abs3A_163 = math.absf %sub3A_162 : vector<32x2048xf32>
    %neg3A_164 = arith.constant 0.000000e+00 : f32
    %neg3A_165 = vector.broadcast %neg3A_164 : f32 to vector<32x2048xf32>
    %neg3A_166 = arith.subf %neg3A_165, %abs3A_163 : vector<32x2048xf32>
    %exp3A_167 = math.exp %neg3A_166 : vector<32x2048xf32>
    %broadcast_in_dim3A_168 = vector.shape_cast %exp3A_167 : vector<32x2048xf32> to vector<32x1x2048xf32>
    %swap3A_169 = arith.constant 0 : index
    %swap3A_170 = arith.constant 8 : index
    %swap3A_171 = arith.constant 0 : index
    %swap3A_172 = vector.load %arg3[%swap3A_169, %swap3A_170, %swap3A_171] : memref<32x16x2048xf32, #tpu.memory_space<vmem>>, vector<32x1x2048xf32>
    tpu.vector_store %arg3[%swap3A_169, %swap3A_170, %swap3A_171], %broadcast_in_dim3A_168 {strides = array<i32>} : memref<32x16x2048xf32, #tpu.memory_space<vmem>>, vector<32x1x2048xf32>,
    %add3A_173 = arith.addf %add3A_153, %exp3A_167 : vector<32x2048xf32>
    %get3A_174 = arith.constant 0 : index
    %get3A_175 = arith.constant 9 : index
    %get3A_176 = vector.load %arg1[%get3A_174, %get3A_175] : memref<32x16xf32, #tpu.memory_space<vmem>>, vector<32x1xf32>
    %get3A_177 = arith.constant 9 : index
    %get3A_178 = arith.constant 0 : index
    %get3A_179 = vector.load %arg2[%get3A_177, %get3A_178] : memref<16x2048xf32, #tpu.memory_space<vmem>>, vector<1x2048xf32>
    %sub3A_180 = vector.broadcast %get3A_176 : vector<32x1xf32> to vector<32x2048xf32>
    %sub3A_181 = vector.broadcast %get3A_179 : vector<1x2048xf32> to vector<32x2048xf32>
    %sub3A_182 = arith.subf %sub3A_180, %sub3A_181 : vector<32x2048xf32>
    %abs3A_183 = math.absf %sub3A_182 : vector<32x2048xf32>
    %neg3A_184 = arith.constant 0.000000e+00 : f32
    %neg3A_185 = vector.broadcast %neg3A_184 : f32 to vector<32x2048xf32>
    %neg3A_186 = arith.subf %neg3A_185, %abs3A_183 : vector<32x2048xf32>
    %exp3A_187 = math.exp %neg3A_186 : vector<32x2048xf32>
    %broadcast_in_dim3A_188 = vector.shape_cast %exp3A_187 : vector<32x2048xf32> to vector<32x1x2048xf32>
    %swap3A_189 = arith.constant 0 : index
    %swap3A_190 = arith.constant 9 : index
    %swap3A_191 = arith.constant 0 : index
    %swap3A_192 = vector.load %arg3[%swap3A_189, %swap3A_190, %swap3A_191] : memref<32x16x2048xf32, #tpu.memory_space<vmem>>, vector<32x1x2048xf32>
    tpu.vector_store %arg3[%swap3A_189, %swap3A_190, %swap3A_191], %broadcast_in_dim3A_188 {strides = array<i32>} : memref<32x16x2048xf32, #tpu.memory_space<vmem>>, vector<32x1x2048xf32>,
    %add3A_193 = arith.addf %add3A_173, %exp3A_187 : vector<32x2048xf32>
    %get3A_194 = arith.constant 0 : index
    %get3A_195 = arith.constant 10 : index
    %get3A_196 = vector.load %arg1[%get3A_194, %get3A_195] : memref<32x16xf32, #tpu.memory_space<vmem>>, vector<32x1xf32>
    %get3A_197 = arith.constant 10 : index
    %get3A_198 = arith.constant 0 : index
    %get3A_199 = vector.load %arg2[%get3A_197, %get3A_198] : memref<16x2048xf32, #tpu.memory_space<vmem>>, vector<1x2048xf32>
    %sub3A_200 = vector.broadcast %get3A_196 : vector<32x1xf32> to vector<32x2048xf32>
    %sub3A_201 = vector.broadcast %get3A_199 : vector<1x2048xf32> to vector<32x2048xf32>
    %sub3A_202 = arith.subf %sub3A_200, %sub3A_201 : vector<32x2048xf32>
    %abs3A_203 = math.absf %sub3A_202 : vector<32x2048xf32>
    %neg3A_204 = arith.constant 0.000000e+00 : f32
    %neg3A_205 = vector.broadcast %neg3A_204 : f32 to vector<32x2048xf32>
    %neg3A_206 = arith.subf %neg3A_205, %abs3A_203 : vector<32x2048xf32>
    %exp3A_207 = math.exp %neg3A_206 : vector<32x2048xf32>
    %broadcast_in_dim3A_208 = vector.shape_cast %exp3A_207 : vector<32x2048xf32> to vector<32x1x2048xf32>
    %swap3A_209 = arith.constant 0 : index
    %swap3A_210 = arith.constant 10 : index
    %swap3A_211 = arith.constant 0 : index
    %swap3A_212 = vector.load %arg3[%swap3A_209, %swap3A_210, %swap3A_211] : memref<32x16x2048xf32, #tpu.memory_space<vmem>>, vector<32x1x2048xf32>
    tpu.vector_store %arg3[%swap3A_209, %swap3A_210, %swap3A_211], %broadcast_in_dim3A_208 {strides = array<i32>} : memref<32x16x2048xf32, #tpu.memory_space<vmem>>, vector<32x1x2048xf32>,
    %add3A_213 = arith.addf %add3A_193, %exp3A_207 : vector<32x2048xf32>
    %get3A_214 = arith.constant 0 : index
    %get3A_215 = arith.constant 11 : index
    %get3A_216 = vector.load %arg1[%get3A_214, %get3A_215] : memref<32x16xf32, #tpu.memory_space<vmem>>, vector<32x1xf32>
    %get3A_217 = arith.constant 11 : index
    %get3A_218 = arith.constant 0 : index
    %get3A_219 = vector.load %arg2[%get3A_217, %get3A_218] : memref<16x2048xf32, #tpu.memory_space<vmem>>, vector<1x2048xf32>
    %sub3A_220 = vector.broadcast %get3A_216 : vector<32x1xf32> to vector<32x2048xf32>
    %sub3A_221 = vector.broadcast %get3A_219 : vector<1x2048xf32> to vector<32x2048xf32>
    %sub3A_222 = arith.subf %sub3A_220, %sub3A_221 : vector<32x2048xf32>
    %abs3A_223 = math.absf %sub3A_222 : vector<32x2048xf32>
    %neg3A_224 = arith.constant 0.000000e+00 : f32
    %neg3A_225 = vector.broadcast %neg3A_224 : f32 to vector<32x2048xf32>
    %neg3A_226 = arith.subf %neg3A_225, %abs3A_223 : vector<32x2048xf32>
    %exp3A_227 = math.exp %neg3A_226 : vector<32x2048xf32>
    %broadcast_in_dim3A_228 = vector.shape_cast %exp3A_227 : vector<32x2048xf32> to vector<32x1x2048xf32>
    %swap3A_229 = arith.constant 0 : index
    %swap3A_230 = arith.constant 11 : index
    %swap3A_231 = arith.constant 0 : index
    %swap3A_232 = vector.load %arg3[%swap3A_229, %swap3A_230, %swap3A_231] : memref<32x16x2048xf32, #tpu.memory_space<vmem>>, vector<32x1x2048xf32>
    tpu.vector_store %arg3[%swap3A_229, %swap3A_230, %swap3A_231], %broadcast_in_dim3A_228 {strides = array<i32>} : memref<32x16x2048xf32, #tpu.memory_space<vmem>>, vector<32x1x2048xf32>,
    %add3A_233 = arith.addf %add3A_213, %exp3A_227 : vector<32x2048xf32>
    %get3A_234 = arith.constant 0 : index
    %get3A_235 = arith.constant 12 : index
    %get3A_236 = vector.load %arg1[%get3A_234, %get3A_235] : memref<32x16xf32, #tpu.memory_space<vmem>>, vector<32x1xf32>
    %get3A_237 = arith.constant 12 : index
    %get3A_238 = arith.constant 0 : index
    %get3A_239 = vector.load %arg2[%get3A_237, %get3A_238] : memref<16x2048xf32, #tpu.memory_space<vmem>>, vector<1x2048xf32>
    %sub3A_240 = vector.broadcast %get3A_236 : vector<32x1xf32> to vector<32x2048xf32>
    %sub3A_241 = vector.broadcast %get3A_239 : vector<1x2048xf32> to vector<32x2048xf32>
    %sub3A_242 = arith.subf %sub3A_240, %sub3A_241 : vector<32x2048xf32>
    %abs3A_243 = math.absf %sub3A_242 : vector<32x2048xf32>
    %neg3A_244 = arith.constant 0.000000e+00 : f32
    %neg3A_245 = vector.broadcast %neg3A_244 : f32 to vector<32x2048xf32>
    %neg3A_246 = arith.subf %neg3A_245, %abs3A_243 : vector<32x2048xf32>
    %exp3A_247 = math.exp %neg3A_246 : vector<32x2048xf32>
    %broadcast_in_dim3A_248 = vector.shape_cast %exp3A_247 : vector<32x2048xf32> to vector<32x1x2048xf32>
    %swap3A_249 = arith.constant 0 : index
    %swap3A_250 = arith.constant 12 : index
    %swap3A_251 = arith.constant 0 : index
    %swap3A_252 = vector.load %arg3[%swap3A_249, %swap3A_250, %swap3A_251] : memref<32x16x2048xf32, #tpu.memory_space<vmem>>, vector<32x1x2048xf32>
    tpu.vector_store %arg3[%swap3A_249, %swap3A_250, %swap3A_251], %broadcast_in_dim3A_248 {strides = array<i32>} : memref<32x16x2048xf32, #tpu.memory_space<vmem>>, vector<32x1x2048xf32>,
    %add3A_253 = arith.addf %add3A_233, %exp3A_247 : vector<32x2048xf32>
    %get3A_254 = arith.constant 0 : index
    %get3A_255 = arith.constant 13 : index
    %get3A_256 = vector.load %arg1[%get3A_254, %get3A_255] : memref<32x16xf32, #tpu.memory_space<vmem>>, vector<32x1xf32>
    %get3A_257 = arith.constant 13 : index
    %get3A_258 = arith.constant 0 : index
    %get3A_259 = vector.load %arg2[%get3A_257, %get3A_258] : memref<16x2048xf32, #tpu.memory_space<vmem>>, vector<1x2048xf32>
    %sub3A_260 = vector.broadcast %get3A_256 : vector<32x1xf32> to vector<32x2048xf32>
    %sub3A_261 = vector.broadcast %get3A_259 : vector<1x2048xf32> to vector<32x2048xf32>
    %sub3A_262 = arith.subf %sub3A_260, %sub3A_261 : vector<32x2048xf32>
    %abs3A_263 = math.absf %sub3A_262 : vector<32x2048xf32>
    %neg3A_264 = arith.constant 0.000000e+00 : f32
    %neg3A_265 = vector.broadcast %neg3A_264 : f32 to vector<32x2048xf32>
    %neg3A_266 = arith.subf %neg3A_265, %abs3A_263 : vector<32x2048xf32>
    %exp3A_267 = math.exp %neg3A_266 : vector<32x2048xf32>
    %broadcast_in_dim3A_268 = vector.shape_cast %exp3A_267 : vector<32x2048xf32> to vector<32x1x2048xf32>
    %swap3A_269 = arith.constant 0 : index
    %swap3A_270 = arith.constant 13 : index
    %swap3A_271 = arith.constant 0 : index
    %swap3A_272 = vector.load %arg3[%swap3A_269, %swap3A_270, %swap3A_271] : memref<32x16x2048xf32, #tpu.memory_space<vmem>>, vector<32x1x2048xf32>
    tpu.vector_store %arg3[%swap3A_269, %swap3A_270, %swap3A_271], %broadcast_in_dim3A_268 {strides = array<i32>} : memref<32x16x2048xf32, #tpu.memory_space<vmem>>, vector<32x1x2048xf32>,
    %add3A_273 = arith.addf %add3A_253, %exp3A_267 : vector<32x2048xf32>
    %get3A_274 = arith.constant 0 : index
    %get3A_275 = arith.constant 14 : index
    %get3A_276 = vector.load %arg1[%get3A_274, %get3A_275] : memref<32x16xf32, #tpu.memory_space<vmem>>, vector<32x1xf32>
    %get3A_277 = arith.constant 14 : index
    %get3A_278 = arith.constant 0 : index
    %get3A_279 = vector.load %arg2[%get3A_277, %get3A_278] : memref<16x2048xf32, #tpu.memory_space<vmem>>, vector<1x2048xf32>
    %sub3A_280 = vector.broadcast %get3A_276 : vector<32x1xf32> to vector<32x2048xf32>
    %sub3A_281 = vector.broadcast %get3A_279 : vector<1x2048xf32> to vector<32x2048xf32>
    %sub3A_282 = arith.subf %sub3A_280, %sub3A_281 : vector<32x2048xf32>
    %abs3A_283 = math.absf %sub3A_282 : vector<32x2048xf32>
    %neg3A_284 = arith.constant 0.000000e+00 : f32
    %neg3A_285 = vector.broadcast %neg3A_284 : f32 to vector<32x2048xf32>
    %neg3A_286 = arith.subf %neg3A_285, %abs3A_283 : vector<32x2048xf32>
    %exp3A_287 = math.exp %neg3A_286 : vector<32x2048xf32>
    %broadcast_in_dim3A_288 = vector.shape_cast %exp3A_287 : vector<32x2048xf32> to vector<32x1x2048xf32>
    %swap3A_289 = arith.constant 0 : index
    %swap3A_290 = arith.constant 14 : index
    %swap3A_291 = arith.constant 0 : index
    %swap3A_292 = vector.load %arg3[%swap3A_289, %swap3A_290, %swap3A_291] : memref<32x16x2048xf32, #tpu.memory_space<vmem>>, vector<32x1x2048xf32>
    tpu.vector_store %arg3[%swap3A_289, %swap3A_290, %swap3A_291], %broadcast_in_dim3A_288 {strides = array<i32>} : memref<32x16x2048xf32, #tpu.memory_space<vmem>>, vector<32x1x2048xf32>,
    %add3A_293 = arith.addf %add3A_273, %exp3A_287 : vector<32x2048xf32>
    %get3A_294 = arith.constant 0 : index
    %get3A_295 = arith.constant 15 : index
    %get3A_296 = vector.load %arg1[%get3A_294, %get3A_295] : memref<32x16xf32, #tpu.memory_space<vmem>>, vector<32x1xf32>
    %get3A_297 = arith.constant 15 : index
    %get3A_298 = arith.constant 0 : index
    %get3A_299 = vector.load %arg2[%get3A_297, %get3A_298] : memref<16x2048xf32, #tpu.memory_space<vmem>>, vector<1x2048xf32>
    %sub3A_300 = vector.broadcast %get3A_296 : vector<32x1xf32> to vector<32x2048xf32>
    %sub3A_301 = vector.broadcast %get3A_299 : vector<1x2048xf32> to vector<32x2048xf32>
    %sub3A_302 = arith.subf %sub3A_300, %sub3A_301 : vector<32x2048xf32>
    %abs3A_303 = math.absf %sub3A_302 : vector<32x2048xf32>
    %neg3A_304 = arith.constant 0.000000e+00 : f32
    %neg3A_305 = vector.broadcast %neg3A_304 : f32 to vector<32x2048xf32>
    %neg3A_306 = arith.subf %neg3A_305, %abs3A_303 : vector<32x2048xf32>
    %exp3A_307 = math.exp %neg3A_306 : vector<32x2048xf32>
    %broadcast_in_dim3A_308 = vector.shape_cast %exp3A_307 : vector<32x2048xf32> to vector<32x1x2048xf32>
    %swap3A_309 = arith.constant 0 : index
    %swap3A_310 = arith.constant 15 : index
    %swap3A_311 = arith.constant 0 : index
    %swap3A_312 = vector.load %arg3[%swap3A_309, %swap3A_310, %swap3A_311] : memref<32x16x2048xf32, #tpu.memory_space<vmem>>, vector<32x1x2048xf32>
    tpu.vector_store %arg3[%swap3A_309, %swap3A_310, %swap3A_311], %broadcast_in_dim3A_308 {strides = array<i32>} : memref<32x16x2048xf32, #tpu.memory_space<vmem>>, vector<32x1x2048xf32>,
    %add3A_313 = arith.addf %add3A_293, %exp3A_307 : vector<32x2048xf32>
    %mul3A = arith.constant 6.250000e-02 : f32
    %mul3A_314 = vector.broadcast %mul3A : f32 to vector<32x2048xf32>
    %mul3A_315 = arith.mulf %add3A_313, %mul3A_314 : vector<32x2048xf32>
    %mul3A_316 = arith.constant 2048 : i32
    %mul3A_317 = arith.muli %arg0, %mul3A_316 : i32
    %iota3A = tpu.iota {dimensions = array<i32: 1>} : vector<32x2048xi32>
    %add3A_318 = vector.broadcast %mul3A_317 : i32 to vector<32x2048xi32>
    %add3A_319 = arith.addi %add3A_318, %iota3A : vector<32x2048xi32>
    %lt3A = arith.constant 100000 : i32
    %lt3A_320 = vector.broadcast %lt3A : i32 to vector<32x2048xi32>
    %lt3A_321 = arith.cmpi slt, %add3A_319, %lt3A_320 : vector<32x2048xi32>
    %jit3A = arith.constant 0.000000e+00 : f32
    %broadcast_in_dim3A_322 = vector.broadcast %jit3A : f32 to vector<32x2048xf32>
    %select_n3A = arith.select %lt3A_321, %mul3A_315, %broadcast_in_dim3A_322 : vector<32x2048xi1>, vector<32x2048xf32>
    %swap3A_323 = arith.constant 0 : index
    %swap3A_324 = arith.constant 0 : index
    %swap3A_325 = vector.load %arg4[%swap3A_323, %swap3A_324] : memref<32x2048xf32, #tpu.memory_space<vmem>>, vector<32x2048xf32>
    tpu.vector_store %arg4[%swap3A_323, %swap3A_324], %select_n3A {strides = array<i32>} : memref<32x2048xf32, #tpu.memory_space<vmem>>, vector<32x2048xf32>,
    return
  }
  func.func @transform_0(%arg0: i32) -> (i32, i32) {
    %c0_i32 = arith.constant 0 : i32
    %c0_i32_0 = arith.constant 0 : i32
    %c0_i32_1 = arith.constant 0 : i32
    return %c0_i32, %c0_i32_0 : i32, i32
  }
  func.func @transform_1(%arg0: i32) -> (i32, i32) {
    %c0_i32 = arith.constant 0 : i32
    %c0_i32_0 = arith.constant 0 : i32
    return %c0_i32, %arg0 : i32, i32
  }
  func.func @transform_2(%arg0: i32) -> (i32, i32, i32) {
    %c0_i32 = arith.constant 0 : i32
    %c0_i32_0 = arith.constant 0 : i32
    %c0_i32_1 = arith.constant 0 : i32
    return %c0_i32, %c0_i32_0, %arg0 : i32, i32, i32
  }
  func.func @transform_3(%arg0: i32) -> (i32, i32) {
    %c0_i32 = arith.constant 0 : i32
    %c0_i32_0 = arith.constant 0 : i32
    return %c0_i32, %arg0 : i32, i32
  }
}

module attributes {stable_mosaic.version = 14 : i64} {
  func.func @_sm_body(%arg0: i32, %arg1: memref<32x2048xf32, #tpu.memory_space<vmem>>, %arg2: memref<32x1xf32, #tpu.memory_space<vmem>>, %arg3: memref<32x1xf32, #tpu.memory_space<vmem>>, %arg4: memref<32x2048xf32, #tpu.memory_space<vmem>>) attributes {dimension_semantics = [#tpu.dimension_semantics<arbitrary>], iteration_bounds = array<i64: 49>, scalar_prefetch = 0 : i64, scratch_operands = 0 : i64, tpu.core_type = #tpu.core_type<tc>, window_params = [{transform_indices = @transform_0, window_bounds = array<i64: 32, 2048>}, {pipeline_mode = #tpu.pipeline_mode<synchronous>, transform_indices = @transform_1, window_bounds = array<i64: 32, 1>}, {pipeline_mode = #tpu.pipeline_mode<synchronous>, transform_indices = @transform_2, window_bounds = array<i64: 32, 1>}, {transform_indices = @transform_3, window_bounds = array<i64: 32, 2048>}]} {
    %get3A = arith.constant 0 : index
    %get3A_0 = arith.constant 0 : index
    %get3A_1 = vector.load %arg1[%get3A, %get3A_0] : memref<32x2048xf32, #tpu.memory_space<vmem>>, vector<32x2048xf32>
    %get3A_2 = arith.constant 0 : index
    %get3A_3 = arith.constant 0 : index
    %get3A_4 = vector.load %arg2[%get3A_2, %get3A_3] : memref<32x1xf32, #tpu.memory_space<vmem>>, vector<32x1xf32>
    %get3A_5 = arith.constant 0 : index
    %get3A_6 = arith.constant 0 : index
    %get3A_7 = vector.load %arg3[%get3A_5, %get3A_6] : memref<32x1xf32, #tpu.memory_space<vmem>>, vector<32x1xf32>
    %ge3A = vector.broadcast %get3A_4 : vector<32x1xf32> to vector<32x2048xf32>
    %ge3A_8 = arith.cmpf oge, %get3A_1, %ge3A : vector<32x2048xf32>
    %jit3A = arith.constant 0.000000e+00 : f32
    %broadcast_in_dim3A = vector.broadcast %jit3A : f32 to vector<32x2048xf32>
    %select_n3A = arith.select %ge3A_8, %get3A_1, %broadcast_in_dim3A : vector<32x2048xi1>, vector<32x2048xf32>
    %mul3A = vector.broadcast %get3A_7 : vector<32x1xf32> to vector<32x2048xf32>
    %mul3A_9 = arith.mulf %select_n3A, %mul3A : vector<32x2048xf32>
    %swap3A = arith.constant 0 : index
    %swap3A_10 = arith.constant 0 : index
    %swap3A_11 = vector.load %arg4[%swap3A, %swap3A_10] : memref<32x2048xf32, #tpu.memory_space<vmem>>, vector<32x2048xf32>
    tpu.vector_store %arg4[%swap3A, %swap3A_10], %mul3A_9 {strides = array<i32>} : memref<32x2048xf32, #tpu.memory_space<vmem>>, vector<32x2048xf32>,
    return
  }
  func.func @transform_0(%arg0: i32) -> (i32, i32) {
    %c0_i32 = arith.constant 0 : i32
    %c0_i32_0 = arith.constant 0 : i32
    return %c0_i32, %arg0 : i32, i32
  }
  func.func @transform_1(%arg0: i32) -> (i32, i32) {
    %c0_i32 = arith.constant 0 : i32
    %c0_i32_0 = arith.constant 0 : i32
    %c0_i32_1 = arith.constant 0 : i32
    return %c0_i32, %c0_i32_0 : i32, i32
  }
  func.func @transform_2(%arg0: i32) -> (i32, i32) {
    %c0_i32 = arith.constant 0 : i32
    %c0_i32_0 = arith.constant 0 : i32
    %c0_i32_1 = arith.constant 0 : i32
    return %c0_i32, %c0_i32_0 : i32, i32
  }
  func.func @transform_3(%arg0: i32) -> (i32, i32) {
    %c0_i32 = arith.constant 0 : i32
    %c0_i32_0 = arith.constant 0 : i32
    return %c0_i32, %arg0 : i32, i32
  }
}

</mosaic_0001>

<sc_bundles>
// kernel: kernel.5.cloned.1.call-start
scs
__scs_entry_jumppad:
0x0: {  	(pc) =	sbr.rel $0x88, $3  }
0x1: {  	(tag) =	ssettag $0x0;
	lr =	simm.s32 $0x1  }
0x2: {  	[smem:$0x3F9E] =	sst lr;
	_ =	strace $0xD0000000  }
0x3: {  	_ = 	snop  }
0x4: {  	_ = 	snop  }
0x5: {  	_ = 	snop  }
0x6: {  	_ = 	snop  }
0x7: {  	_ = 	snop  }
__scs_overlays_trampoline_lowered:
0x8: {  	[smem:$0x3FAD] =	sst s0  }
0x9: {  	[smem:$0x3FAE] =	sst s1  }
0xa: {  	[smem:$0x3FAF] =	sst s2  }
0xb: {  	[smem:$0x3FB0] =	sst s3  }
0xc: {  	[smem:$0x3FB1] =	sst s4  }
0xd: {  	[smem:$0x3FB2] =	sst s5  }
0xe: {  	[smem:$0x3FB3] =	sst s6  }
0xf: {  	[smem:$0x3FB4] =	sst s7  }
0x10: {  	[smem:$0x3FB5] =	sst s8  }
0x11: {  	[smem:$0x3FB6] =	sst s9;
	s0 =	simm.s32 @!p0 $0x0  }
0x12: {  	s1 =	sld [smem:$0x3F9C];
	s0 =	simm.s32 @p0 $0x1  }
0x13: {  	[smem:$0x3FB7] =	sst s0;
	s0 =	simm.s32 @!p1 $0x0  }
0x14: {  	s2 =	sld [smem:$0x3F9B];
	s0 =	simm.s32 @p1 $0x1  }
0x15: {  	[smem:$0x3FB8] =	sst s0;
	s0 =	simm.s32 @!p2 $0x0  }
0x16: {  	s3 =	sld [smem:$0x3FDB];
	s0 =	simm.s32 @p2 $0x1  }
0x17: {  	s4 =	simm.s32 $0x1BF5;
	[smem:$0x3FBA] =	sst s0  }
0x18: {  	s0 =	sld [smem:$0x3F9D];
	_ =	swait.ge [sflag:s4], $0x0  }
0x19: {  	s7 =	sld [smem:$0x3F9E]  }
0x1a: {  	s8 =	sadd.s32 $0xFFFFE003, lr  }
0x1b: {  	s9 =	sadd.s32 $0xFFFFFEF7, lr;
	s5 =	simm.s32 $0xFFFFFFFF;
	p2 =	slt.u32 s8, $0xFFFFF086  }
0x1c: {  	p1 =	slt.u32 s9, $0xF7A;
	s5 =	simm.s32 @!p2 $0x0  }
0x1d: {  	s5 =	simm.s32 @p1 $0x1;
	p0 =	seq.s32 s7, s2  }
0x1e: {  	s7 =	smul.u32 @!p0 $0xF7A, s2;
	p2 =	seq.s32 @!p0 s5, $0x0  }
0x1f: {  	s9 =	smul.u32 $0xF7A, s1;
	s8 =	simm.s32 @!p0 $0x1BF5;
	p2 =	por !p2, p0  }
0x20: {  	[sflag:s8] =	ssyncset.s32 @!p0 $0xFFFFF086;
	s6 =	sadd.s32 @!p0 s3, s7;
	s7 =	simm.s32 @!p0 $0x108  }
0x21: {  	s3 =	sadd.s32 s3, s9;
	s6 =	sadd.s32 @!p0 $0x88, s6;
	s7 =	simm.s32 @p2 $0x1082  }
0x22: {  	[simem:s7], [sflag:s8] =	dma.local @!p0 [hbm:s6], $0xF7A  }
0x23: {  	s9 =	sor.u32 $0xD0000000, s2;
	s6 =	simm.s32 $0x108;
	_ =	swait.ge @!p0 [sflag:s8], $0x0  }
0x24: {  	s3 =	sadd.s32 $0x88, s3;
	s6 =	simm.s32 @!p1 $0x1082;
	[sflag:s4] =	ssyncset.s32 $0xFFFFF086  }
0x25: {  	[simem:s6], [sflag:s4] =	dma.local [hbm:s3], $0xF7A  }
0x26: {  	[smem:$0x3F9E] =	sst s1;
	(tag) =	ssettag s2;
	_ =	strace s9  }
0x27: {  	s1 =	sld [smem:$0x3FAE]  }
0x28: {  	s2 =	sld [smem:$0x3FAF]  }
0x29: {  	s4 =	sld [smem:$0x3FB1]  }
0x2a: {  	p0 =	seq.s32 s5, $0x0;
	s5 =	sld [smem:$0x3FB2]  }
0x2b: {  	s6 =	sld [smem:$0x3FB3]  }
0x2c: {  	s7 =	sld [smem:$0x3FB4]  }
0x2d: {  	s3 =	simm.s32 $0x108;
	s8 =	sld [smem:$0x3FB5]  }
0x2e: {  	s3 =	simm.s32 @!p0 $0x1082;
	s9 =	sld [smem:$0x3FB6]  }
0x2f: {  	lr =	sadd.s32 s0, s3;
	s0 =	sld [smem:$0x3FAD]  }
0x30: {  	s3 =	sld [smem:$0x3FB0]  }
0x31: {  	[smem:$0x3FB9] =	sst s10  }
0x32: {  	s10 =	sld [smem:$0x3FB7];
	_ =	sdelay $0x3  }
0x33: {  	p0 =	seq.s32 s10, $0x1;
	s10 =	sld [smem:$0x3FB9];
	_ =	sdelay $0x3  }
0x34: {  	[smem:$0x3FB9] =	sst s10  }
0x35: {  	s10 =	sld [smem:$0x3FB8];
	_ =	sdelay $0x3  }
0x36: {  	p1 =	seq.s32 s10, $0x1;
	s10 =	sld [smem:$0x3FB9];
	_ =	sdelay $0x3  }
0x37: {  	[smem:$0x3FB9] =	sst s10  }
0x38: {  	s10 =	sld [smem:$0x3FBA]  }
0x39: {  	_ = 	snop;
	(pc) =	sbr.ind lr, $3  }
0x3a: {  	_ = 	snop  }
0x3b: {  	_ = 	snop  }
0x3c: {  	p2 =	seq.s32 s10, $0x1;
	s10 =	sld [smem:$0x3FB9]  }
0x3d: {  	_ =	shalt  }
0x3e: {  	_ =	shalt  }
0x3f: {  	_ =	shalt  }
0x40: {  	_ =	shalt  }
0x41: {  	_ =	shalt  }
0x42: {  	_ =	shalt  }
0x43: {  	_ =	shalt  }
0x44: {  	_ =	shalt  }
0x45: {  	_ =	shalt  }
0x46: {  	_ =	shalt  }
0x47: {  	_ =	shalt  }
0x48: {  	_ =	shalt  }
0x49: {  	_ =	shalt  }
0x4a: {  	_ =	shalt  }
0x4b: {  	_ =	shalt  }
0x4c: {  	_ =	shalt  }
0x4d: {  	_ =	shalt  }
0x4e: {  	_ =	shalt  }
0x4f: {  	_ =	shalt  }
0x50: {  	_ =	shalt  }
0x51: {  	_ =	shalt  }
0x52: {  	_ =	shalt  }
0x53: {  	_ =	shalt  }
0x54: {  	_ =	shalt  }
0x55: {  	_ =	shalt  }
0x56: {  	_ =	shalt  }
0x57: {  	_ =	shalt  }
0x58: {  	_ =	shalt  }
0x59: {  	_ =	shalt  }
0x5a: {  	_ =	shalt  }
0x5b: {  	_ =	shalt  }
0x5c: {  	_ =	shalt  }
0x5d: {  	_ =	shalt  }
0x5e: {  	_ =	shalt  }
0x5f: {  	_ =	shalt  }
0x60: {  	_ =	shalt  }
0x61: {  	_ =	shalt  }
0x62: {  	_ =	shalt  }
0x63: {  	_ =	shalt  }
0x64: {  	_ =	shalt  }
0x65: {  	_ =	shalt  }
0x66: {  	_ =	shalt  }
0x67: {  	_ =	shalt  }
0x68: {  	_ =	shalt  }
0x69: {  	_ =	shalt  }
0x6a: {  	_ =	shalt  }
0x6b: {  	_ =	shalt  }
0x6c: {  	_ =	shalt  }
0x6d: {  	_ =	shalt  }
0x6e: {  	_ =	shalt  }
0x6f: {  	_ =	shalt  }
0x70: {  	_ =	shalt  }
0x71: {  	_ =	shalt  }
0x72: {  	_ =	shalt  }
0x73: {  	_ =	shalt  }
0x74: {  	_ =	shalt  }
0x75: {  	_ =	shalt  }
0x76: {  	_ =	shalt  }
0x77: {  	_ =	shalt  }
0x78: {  	_ =	shalt  }
0x79: {  	_ =	shalt  }
0x7a: {  	_ =	shalt  }
0x7b: {  	_ =	shalt  }
0x7c: {  	_ =	shalt  }
0x7d: {  	_ =	shalt  }
0x7e: {  	_ =	shalt  }
0x7f: {  	_ =	shalt  }
0x80: {  	_ =	shalt  }
0x81: {  	_ =	shalt  }
0x82: {  	_ =	shalt  }
0x83: {  	_ =	shalt  }
0x84: {  	_ =	shalt  }
0x85: {  	_ =	shalt  }
0x86: {  	_ =	shalt  }
0x87: {  	_ =	shalt  }
.Lfunc_end0:
.L_simem_size_0:
called_computation_lowered:
.L_overlay_start_0:
0x88: {  	s2 =	sld [smem:$0x3FD9]  }
0x89: {  	s3 =	sld [smem:$0x3FFE];
	_ =	sdelay $0x1  }
0x8a: {  	s1 =	srdreg.scid  }
0x8b: {  	s0 =	sand.u32 $0x1, s1  }
0x8c: {  	s14 =	sshll.u32 s0, $0xA;
	s2 =	sadd.s32 s3, s2  }
0x8d: {  	s2 =	sadd.s32 s2, s14  }
0x8e: {  	[smem:$0x3FC5] =	sst s2  }
0x8f: {  	_ = 	snop  }
0x90: {  	s2 =	sld [smem:$0x3FD0];
	_ =	sdelay $0x2  }
0x91: {  	s4 =	simm.s32 $0xA;
	s5 =	simm.s32 $0x10;
	s15 =	sld [smem:$0x3FC7]  }
0x92: {  	[smem:s5], [sflag:s4] =	dma.local [hbm:s2], $0x1  }
0x93: {  	_ =	swait.eq [sflag:s4], $0x1  }
0x94: {  	[sflag:s4] =	ssyncset.done $0x0  }
0x95: {  	[sflag:s4] =	ssyncadd.s32 $0xFFFFFFFF  }
0x96: {  	s16 =	sld [smem:$0x11];
	(tm) =	ssettm $0x1  }
0x97: {  	s17 =	sld [smem:$0x3FFB];
	_ =	sdelay $0x3  }
0x98: {  	_ =	strace s17  }
0x99: {  	s4 =	sld [smem:$0x3FFC];
	_ =	sdelay $0x3  }
0x9a: {  	_ =	strace s4  }
0x9b: {  	s4 =	sld [smem:$0x3FFD];
	_ =	sdelay $0x3  }
0x9c: {  	_ =	strace s4  }
0x9d: {  	_ =	strace $0x8FFFFFFF  }
0x9e: {  	s18 =	sld [smem:$0x3FDB];
	_ =	sdelay $0x1  }
0x9f: {  	s19 =	simm.s32 $_scs_section_size  }
0xa0: {  	s6 =	simm.s32 $_size__tile_overlayer_lowered;
	s7 =	simm.s32 $_tile_overlayer_lowered  }
0xa1: {  	s22 =	simm.s32 $0x1BFF;
	s21 =	sshll.u32 s7, $0x1;
	s4 =	sadd.s32 s19, s18  }
0xa2: {  	s8 =	simm.s32 $0x0;
	s20 =	sshll.u32 s6, $0x1;
	s6 =	sadd.s32 s21, s4  }
0xa3: {  	[timem:s8], [sflag:s22] =	dma.local [hbm:s6], s20  }
0xa4: {  	_ =	swait.ge [sflag:s22], s20  }
0xa5: {  	s5 =	ssub.s32 $0x0, s20;
	[sflag:s22] =	ssyncset.done $0x0  }
0xa6: {  	[sflag:s22] =	ssyncadd.s32 s5;
	_ =	sdelay $0x1  }
0xa7: {  	s23 =	simm.s32 $0x1B8B  }
0xa8: {  	_ =	swait.ge [sflag:s23], $0x1  }
0xa9: {  	[sflag:s23] =	ssyncset.done $0x0  }
0xaa: {  	s25 =	simm.s32 $0x1B8E;
	s24 =	sld [smem:$0x3FFE];
	[sflag:s23] =	ssyncadd.s32 $0xFFFFFFFF  }
0xab: {  	s26 =	simm.s32 $execute0_lowered;
	[smem:$0x3FD2] =	sst s25  }
0xac: {  	s6 =	sshll.u32 s26, $0x1;
	_ =	strace $0x80000046;
	[dreg:$0x1] =	wrdreg $0xFFFFFFFF  }
0xad: {  	s28 =	simm.s32 $_size_execute0_lowered;
	s4 =	sadd.s32 s4, s6;
	[dreg:$0x0] =	wrdreg $0x0  }
0xae: {  	s6 =	sshll.u32 s28, $0x1;
	[dreg:$0x2] =	wrdreg s4  }
0xaf: {  	[dreg:$0x3] =	wrdreg s6  }
0xb0: {  	[dreg:$0x4] =	wrdreg $0xC0  }
0xb1: {  	_ =	task [dreg:s8], $0x5FFFF  }
0xb2: {  	[dreg:$0x1] =	wrdreg $0xFFFFFFFF  }
0xb3: {  	[dreg:$0x0] =	wrdreg $0x60  }
0xb4: {  	[dreg:$0x2] =	wrdreg s24  }
0xb5: {  	[dreg:$0x3] =	wrdreg s15  }
0xb6: {  	[dreg:$0x4] =	wrdreg s16  }
0xb7: {  	[dreg:$0x5] =	wrdreg $0x9  }
0xb8: {  	_ =	task.clear_ibuf [dreg:s8], $0x6FFFF;
	_ =	strace $0x90000046  }
0xb9: {  	s29 =	simm.s32 $0x9;
	_ =	strace $0x80000048  }
0xba: {  	_ =	swait.ge [sflag:s29], $0x1  }
0xbb: {  	[sflag:s29] =	ssyncadd.s32 $0xFFFFFFFF  }
0xbc: {  	_ =	strace $0x90000048  }
0xbd: {  	_ =	sfence  }
0xbe: {  	s30 =	sld [smem:$0x0];
	_ =	sdelay $0x2  }
0xbf: {  	s31 =	sshll.u32 s1, $0xD;
	s1 =	sshrl.u32 s1, $0x2  }
0xc0: {  	s3 =	sand.u32 $0x4000, s31;
	s1 =	sadd.s32 s1, s30  }
0xc1: {  	s0 =	sor.u32 s3, s0;
	s1 =	sshll.u32 s1, $0x11  }
0xc2: {  	s0 =	sor.u32 s1, s0  }
0xc3: {  	s0 =	sadd.s32 $0x8F2B, s0  }
0xc4: {  	[sflag:s0] =	ssyncadd.remote.s32 $0x1  }
0xc5: {  	_ =	sfence.sel $0xFFFF  }
0xc6: {  	[dreg:$0x0] =	wrdreg $0xFFFFFFFF;
	(pc) =	sbr.abs _section_cstart, $3  }
0xc7: {  	[dreg:$0x1] =	wrdreg $0xFFFFFFFF  }
0xc8: {  	_ =	task.clear_ibuf [dreg:s8], $0x2FFFF;
	_ =	strace $0x9FFFFFFF  }
0xc9: {  	(tm) =	ssettm $0x7FFFFFFF  }
tec
execute0_lowered:
.L_overlay_start_1:
0x0: {  	(tag) =	ssettag $0x1  }
0x1: {  	s4 =	rddreg [dreg:$0x0]  }
0x2: {  	s1 =	rddreg [dreg:$0x1]  }
0x3: {  	s6 =	rddreg [dreg:$0x2];
	s3 =	srdreg.scid  }
0x4: {  	s0 =	rddreg [dreg:$0x3];
	s2 =	simm.s32 $0x0;
	s12 =	simm.s32 $0x18880  }
0x5: {  	s13 =	simm.s32 $0x1;
	s14 =	simm.s32 $0x18900;
	s15 =	simm.s32 $0x0  }
0x6: {  	s5 =	sand.u32 $0x1, s3;
	[smem:$0x7FF] =	sst s2;
	s3 =	stileid.u32  }
0x7: {  	s4 =	sadd.s32 $0x1200, s4;
	s7 =	ssub.s32 $0x2, s5;
	_ =	strace $0x80000047  }
0x8: {  	s29 =	sshll.u32 s3, $0x2;
	s9 =	sshll.u32 s5, $0x1;
	s10 =	sshll.u32 s3, $0x8  }
.Ltmp0:
0x9: {  	s5 =	sshll.u32 s5, $0x7;
	s11 =	sshrl.u32 s3, $0x2;
	(pc) =	sbr.rel .LBB2_1-.Ltmp0, $4  }
0xa: {  	v0 =	vlaneseq.u32;
	s8 =	sshrl.u32 s7, $0x1;
	s30 =	sor.u32 s5, s10;
	s5 =	smul.u32 $0xC4000, s11  }
0xb: {  	v2 =	vmul.u32 $0xFFFFFFFF, v0;
	s10 =	simm.s32 $0x20;
	s11 =	simm.s32 $0x18800;
	s7 =	ssub.s32 s7, s8  }
0xc: {  	v1 =	vimm.f32 $0.0e+00;
	s8 =	sor.u32 s9, s29;
	s31 =	sand.u32 $0x380, s30;
	s9 =	simm.s32 $0x2  }
0xd: {  	vm0 =	vcmask $0x3F10;
	vm1 =	vcmask $0x3F0C;
	v2 =	vadd.s32 $0xF, v2;
	s6 =	sadd.s32 s6, s8;
	s7 =	smax.u32 s7, $0x1;
	s8 =	sor.u32 $0x40, s31  }
.LBB2_7:
0xe: {  	[tilespmem:$0x18800] =	vst v10  }
0xf: {  	[tilespmem:$0x18810] =	vst v12  }
0x10: {  	[tilespmem:s12], [sflag:$0x1] =	stream.indirect.gather [hbm4b:s1+s10], $0x1, s11, s10, $0xb8;
	[tilespmem:$0x18980] =	vst v63  }
0x11: {  	_ =	swait.ge [sflag:s13], $0x20  }
0x12: {  	(xrf2) =	vadd.scan.msk.f32 $0xffff, v9  }
0x13: {  	(xrf2) =	vadd.scan.msk.f32 $0xffff, v7;
	_ =	sdelay $0x4  }
0x14: {  	[sflag:s13] =	ssyncset.done $0x0  }
0x15: {  	[sflag:s13] =	ssyncadd.s32 $0xFFFFFFE0  }
0x16: {  	v3 =	vld [tilespmem:$0x18880]  }
0x17: {  	v4 =	vld [tilespmem:$0x18890]  }
0x18: {  	v5, _, _ =	vpop (xrf2)  }
0x19: {  	(v2sf) =	vpush v5, $0xF;
	v60, _, _ =	vpop (xrf2)  }
0x1a: {  	(v2sf) =	vpush v60, $0xF  }
0x1b: {  	(xrf2) =	vadd.scan.msk.f32 $0xffff, v3;
	v3 =	vmul.f32 v3, v9  }
0x1c: {  	(xrf2) =	vadd.scan.msk.f32 $0xffff, v4;
	v4 =	vmul.f32 v4, v7  }
0x1d: {  	(xrf2) =	vadd.scan.msk.f32 $0xffff, v3  }
0x1e: {  	(xrf2) =	vadd.scan.msk.f32 $0xffff, v4;
	_ =	sdelay $0x6  }
0x1f: {  	v3, _, _ =	vpop (xrf2)  }
0x20: {  	v61, _, _ =	vpop (xrf2);
	(v2sf) =	vpush v3, $0xF  }
0x21: {  	v3, _, _ =	vpop (xrf2);
	(v2sf) =	vpush v61, $0xF  }
0x22: {  	s16 =	spop (v2sf);
	(v2sf) =	vpush v3, $0xF;
	v3, _, _ =	vpop (xrf2)  }
0x23: {  	s17 =	spop (v2sf);
	(v2sf) =	vpush v3, $0xF  }
0x24: {  	s16 =	sadd.f32 s17, s16;
	_ =	sdelay $0x1  }
0x25: {  	v3 =	vmov s16  }
0x26: {  	v3 =	vadd.f32 $1.000000010e-10, v3;
	_ =	sdelay $0x1  }
0x27: {  	v3 =	vbroadcast v3, $0x0;
	_ =	sdelay $0x1  }
0x28: {  	(erf) = vrcp.f32 v3;
	_ =	sdelay $0x3  }
0x29: {  	s30 =	spop (v2sf)  }
0x2a: {  	(xrf0) =	vmin.scan.msk.f32 $0xffff, v7;
	s31 =	spop (v2sf)  }
0x2b: {  	s18 =	spop (v2sf)  }
0x2c: {  	s19 =	spop (v2sf)  }
0x2d: {  	s18 =	sadd.f32 s19, s18  }
0x2e: {  	s16 =	sadd.f32 s31, s30;
	v3 =	vpop (erf)  }
0x2f: {  	v62 =	vmul.f32 s18, v3  }
0x30: {  	v63, _, _ =	vpop (xrf0);
	s16 =	smul.f32 $3.125000000e-02, s16;
	v3 =	vsel vm0, $0x0, v3  }
0x31: {  	vm2 =	veq.s32 v0, $0x1;
	v5 =	vbroadcast v63, $0xF;
	v3 =	vsel vm1, v3, v62  }
0x32: {  	s15 =	sadd.s32 $0x1, s15;
	v3 =	vsel vm2, s16, v3;
	vm2 =	vmmov $0x1  }
0x33: {  	p0 =	sne.s32 s15, s7;
	v3 =	vsel vm2, v5, v3  }
.Ltmp1:
0x34: {  	[tilespmem:$0x18900] =	vst v3;
	(pc) =	sbr.rel @!p0 .LBB2_8-.Ltmp1, $4  }
0x35: {  	[hbm4b:s6+s2] =	stream.linear.scatter [tilespmem:s14], [sflag:$0x2], $0x10, $0x38;
	[tilespmem:$0x18980] =	vst v63  }
0x36: {  	_ =	swait.ge [sflag:s9], $0x10  }
0x37: {  	[sflag:s9] =	ssyncset.done $0x0  }
0x38: {  	[sflag:s9] =	ssyncadd.s32 $0xFFFFFFF0  }
.LBB2_1:
.Ltmp2:
0x39: {  	(pc) =	sbr.rel .LBB2_2-.Ltmp2, $3  }
0x3a: {  	_ =	sdelay $0x1  }
0x3b: {  	v7 =	vimm.f32 $-Inf  }
0x3c: {  	v12 =	vimm.s32 $0x0;
	s20 =	simm.f32 $-Inf;
	s16 =	simm.s32 $0x0;
	v10 =	vimm.s32 $0x0;
	v9 =	vimm.f32 $-Inf;
	s17 =	simm.s32 $0x0  }
.LBB2_6:
0x3d: {  	s17 =	sadd.s32 $0x1, s17  }
0x3e: {  	p0 =	sne.s32 s17, $0x8  }
.Ltmp3:
0x3f: {  	_ = 	snop;
	(pc) =	sbr.rel @!p0 .LBB2_7-.Ltmp3, $2  }
0x40: {  	_ =	sdelay $0x2  }
0x41: {  	s16 =	sadd.s32 $0x3100, s16  }
.LBB2_2:
0x42: {  	s18 =	smul.u32 $0x18800, s17;
	_ =	sdelay $0x1  }
0x43: {  	s18 =	sadd.s32 s5, s18  }
0x44: {  	s18 =	sshrl.u32 s18, $0x3  }
.Ltmp4:
0x45: {  	s19 =	sadd.s32 s4, s18;
	s18 =	simm.s32 $0x0;
	(pc) =	sbr.rel .LBB2_3-.Ltmp4, $4  }
0x46: {  	[tilespmem:s18], [sflag:$0x2] =	stream.linear.gather [hbm4b:s19+s18], $0x18800, $0x38;
	[tilespmem:$0x18980] =	vst v63  }
0x47: {  	_ =	swait.ge [sflag:s9], $0x18800  }
0x48: {  	[sflag:s9] =	ssyncset.done $0x0  }
0x49: {  	s19 =	smov.u32 s8;
	[sflag:s9] =	ssyncadd.s32 $0xFFFE7800  }
.LBB2_5:
0x4a: {  	s18 =	sadd.s32 $0x80, s18  }
0x4b: {  	p0 =	sne.s32 s18, $0x3100  }
.Ltmp5:
0x4c: {  	_ = 	snop;
	(pc) =	sbr.rel @!p0 .LBB2_6-.Ltmp5, $2  }
0x4d: {  	_ =	sdelay $0x2  }
0x4e: {  	s19 =	sadd.s32 $0x400, s19  }
.LBB2_3:
0x4f: {  	v14 =	vld [tilespmem:s19+$0xFFFFFFC0]  }
0x50: {  	v13 =	vld [tilespmem:s19+$0xFFFFFFD0]  }
0x51: {  	v11 =	vld [tilespmem:s19+$0xFFFFFFE0]  }
0x52: {  	v8 =	vld [tilespmem:s19+$0xFFFFFFF0]  }
0x53: {  	v6 =	vld [tilespmem:s19+$0x0]  }
0x54: {  	v5 =	vld [tilespmem:s19+$0x10]  }
0x55: {  	v4 =	vld [tilespmem:s19+$0x20];
	v15 =	vmax.f32 v14, v13  }
0x56: {  	v3 =	vld [tilespmem:s19+$0x30];
	v15 =	vmax.f32 v15, v11  }
0x57: {  	v15 =	vmax.f32 v15, v8  }
0x58: {  	v15 =	vmax.f32 v15, v6  }
0x59: {  	v15 =	vmax.f32 v15, v5  }
0x5a: {  	v15 =	vmax.f32 v15, v4  }
0x5b: {  	v15 =	vmax.f32 v15, v3  }
0x5c: {  	vm2 =	vgt.f32 v15, s20  }
0x5d: {  	v15 =	vsel vm2, $0x3F800000, v1  }
0x5e: {  	(xrf0) =	vmax.scan.msk.f32 $0xffff, v15;
	_ =	sdelay $0x5  }
0x5f: {  	v15, _, _ =	vpop (xrf0)  }
0x60: {  	(v2sf) =	vpush v15, $0xF;
	_ =	sdelay $0xe  }
0x61: {  	s21 =	spop (v2sf)  }
0x62: {  	p0 =	sgt.f32 s21, $0.0e+00  }
.Ltmp6:
0x63: {  	_ = 	snop;
	(pc) =	sbr.rel @!p0 .LBB2_5-.Ltmp6, $1  }
0x64: {  	_ =	sdelay $0x3  }
0x65: {  	v15 =	vmov s20  }
0x66: {  	s25 =	sadd.s32 s18, s16;
	vm2 =	vgt.f32 v14, v15  }
0x67: {  	v15 =	vor.u32 s25, v0;
	v14 =	vnsel vm2, $0xFF800000, v14  }
0x68: {  	(xrf1) =	vsort.dscd.msk.f32 $0xffff, v14, v15;
	_ =	sdelay $0xc  }
0x69: {  	v7 =	vperm.xlane v7, v2  }
0x6a: {  	v12 =	vperm.xlane v12, v2;
	v14, v15, _ =	vpop (xrf1)  }
0x6b: {  	vm2 =	vgt.f32 v14, v7  }
0x6c: {  	v7 =	vsel vm2, v14, v7;
	v12 =	vsel vm2, v15, v12  }
0x6d: {  	(xrf1) =	vsort.dscd.msk.f32 $0xffff, v7, v12;
	_ =	sdelay $0xd  }
0x6e: {  	v7, v12, _ =	vpop (xrf1)  }
0x6f: {  	v7 =	vperm.xlane v7, v2  }
0x70: {  	v12 =	vperm.xlane v12, v2  }
0x71: {  	vm2 =	vge.f32 v9, v7  }
0x72: {  	v14 =	vsel vm2, v9, v7;
	v15 =	vsel vm2, v10, v12  }
0x73: {  	v7 =	vsel vm2, v7, v9;
	v9 =	vsel vm2, v12, v10;
	(xrf1) =	vsort.dscd.msk.f32 $0xffff, v14, v15  }
0x74: {  	(xrf1) =	vsort.dscd.msk.f32 $0xffff, v7, v9;
	_ =	sdelay $0xc  }
0x75: {  	v7, v9, _ =	vpop (xrf1)  }
0x76: {  	v10, v12, _ =	vpop (xrf1)  }
0x77: {  	(xrf0) =	vmin.scan.msk.f32 $0xffff, v10;
	_ =	sdelay $0x5  }
0x78: {  	v14, _, _ =	vpop (xrf0)  }
0x79: {  	v14 =	vbroadcast v14, $0xF;
	_ =	sdelay $0x1  }
0x7a: {  	s21 =	sadd.s32 $0x10, s25;
	vm2 =	vgt.f32 v13, v14  }
0x7b: {  	v14 =	vor.u32 s21, v0;
	v13 =	vnsel vm2, $0xFF800000, v13  }
0x7c: {  	(xrf1) =	vsort.dscd.msk.f32 $0xffff, v13, v14;
	_ =	sdelay $0xc  }
0x7d: {  	v10 =	vperm.xlane v10, v2  }
0x7e: {  	v12 =	vperm.xlane v12, v2;
	v13, v14, _ =	vpop (xrf1)  }
0x7f: {  	vm2 =	vgt.f32 v13, v10  }
0x80: {  	v10 =	vsel vm2, v13, v10;
	v12 =	vsel vm2, v14, v12  }
0x81: {  	(xrf1) =	vsort.dscd.msk.f32 $0xffff, v10, v12;
	_ =	sdelay $0xd  }
0x82: {  	v10, v12, _ =	vpop (xrf1)  }
0x83: {  	v10 =	vperm.xlane v10, v2  }
0x84: {  	v12 =	vperm.xlane v12, v2  }
0x85: {  	vm2 =	vge.f32 v7, v10  }
0x86: {  	v13 =	vsel vm2, v7, v10;
	v14 =	vsel vm2, v9, v12  }
0x87: {  	v7 =	vsel vm2, v10, v7;
	v9 =	vsel vm2, v12, v9;
	(xrf1) =	vsort.dscd.msk.f32 $0xffff, v13, v14  }
0x88: {  	(xrf1) =	vsort.dscd.msk.f32 $0xffff, v7, v9;
	_ =	sdelay $0xc  }
0x89: {  	v7, v9, _ =	vpop (xrf1)  }
0x8a: {  	v10, v12, _ =	vpop (xrf1)  }
0x8b: {  	(xrf0) =	vmin.scan.msk.f32 $0xffff, v10;
	_ =	sdelay $0x5  }
0x8c: {  	v13, _, _ =	vpop (xrf0)  }
0x8d: {  	v13 =	vbroadcast v13, $0xF;
	_ =	sdelay $0x1  }
0x8e: {  	s26 =	sadd.s32 $0x20, s25;
	vm2 =	vgt.f32 v11, v13  }
0x8f: {  	v13 =	vor.u32 s26, v0;
	v11 =	vnsel vm2, $0xFF800000, v11  }
0x90: {  	(xrf1) =	vsort.dscd.msk.f32 $0xffff, v11, v13;
	_ =	sdelay $0xc  }
0x91: {  	v10 =	vperm.xlane v10, v2  }
0x92: {  	v12 =	vperm.xlane v12, v2;
	v11, v13, _ =	vpop (xrf1)  }
0x93: {  	vm2 =	vgt.f32 v11, v10  }
0x94: {  	v10 =	vsel vm2, v11, v10;
	v11 =	vsel vm2, v13, v12  }
0x95: {  	(xrf1) =	vsort.dscd.msk.f32 $0xffff, v10, v11;
	_ =	sdelay $0xd  }
0x96: {  	v10, v11, _ =	vpop (xrf1)  }
0x97: {  	v10 =	vperm.xlane v10, v2  }
0x98: {  	v11 =	vperm.xlane v11, v2  }
0x99: {  	vm2 =	vge.f32 v7, v10  }
0x9a: {  	v12 =	vsel vm2, v7, v10;
	v13 =	vsel vm2, v9, v11  }
0x9b: {  	v7 =	vsel vm2, v10, v7;
	v9 =	vsel vm2, v11, v9;
	(xrf1) =	vsort.dscd.msk.f32 $0xffff, v12, v13  }
0x9c: {  	(xrf1) =	vsort.dscd.msk.f32 $0xffff, v7, v9;
	_ =	sdelay $0xc  }
0x9d: {  	v7, v9, _ =	vpop (xrf1)  }
0x9e: {  	v10, v11, _ =	vpop (xrf1)  }
0x9f: {  	(xrf0) =	vmin.scan.msk.f32 $0xffff, v10;
	_ =	sdelay $0x5  }
0xa0: {  	v12, _, _ =	vpop (xrf0)  }
0xa1: {  	v12 =	vbroadcast v12, $0xF;
	_ =	sdelay $0x1  }
0xa2: {  	s28 =	sadd.s32 $0x30, s25;
	vm2 =	vgt.f32 v8, v12  }
0xa3: {  	v12 =	vor.u32 s28, v0;
	v8 =	vnsel vm2, $0xFF800000, v8  }
0xa4: {  	(xrf1) =	vsort.dscd.msk.f32 $0xffff, v8, v12;
	_ =	sdelay $0xc  }
0xa5: {  	v8 =	vperm.xlane v10, v2  }
0xa6: {  	v11 =	vperm.xlane v11, v2;
	v10, v12, _ =	vpop (xrf1)  }
0xa7: {  	vm2 =	vgt.f32 v10, v8  }
0xa8: {  	v8 =	vsel vm2, v10, v8;
	v10 =	vsel vm2, v12, v11  }
0xa9: {  	(xrf1) =	vsort.dscd.msk.f32 $0xffff, v8, v10;
	_ =	sdelay $0xd  }
0xaa: {  	v8, v10, _ =	vpop (xrf1)  }
0xab: {  	v8 =	vperm.xlane v8, v2  }
0xac: {  	v10 =	vperm.xlane v10, v2  }
0xad: {  	vm2 =	vge.f32 v7, v8  }
0xae: {  	v11 =	vsel vm2, v7, v8;
	v12 =	vsel vm2, v9, v10  }
0xaf: {  	v7 =	vsel vm2, v8, v7;
	v8 =	vsel vm2, v10, v9;
	(xrf1) =	vsort.dscd.msk.f32 $0xffff, v11, v12  }
0xb0: {  	(xrf1) =	vsort.dscd.msk.f32 $0xffff, v7, v8;
	_ =	sdelay $0xc  }
0xb1: {  	v7, v8, _ =	vpop (xrf1)  }
0xb2: {  	v9, v10, _ =	vpop (xrf1)  }
0xb3: {  	(xrf0) =	vmin.scan.msk.f32 $0xffff, v9;
	_ =	sdelay $0x5  }
0xb4: {  	v11, _, _ =	vpop (xrf0)  }
0xb5: {  	v11 =	vbroadcast v11, $0xF;
	_ =	sdelay $0x1  }
0xb6: {  	s29 =	sadd.s32 $0x40, s25;
	vm2 =	vgt.f32 v6, v11  }
0xb7: {  	v11 =	vor.u32 s29, v0;
	v6 =	vnsel vm2, $0xFF800000, v6  }
0xb8: {  	(xrf1) =	vsort.dscd.msk.f32 $0xffff, v6, v11;
	_ =	sdelay $0xc  }
0xb9: {  	v6 =	vperm.xlane v9, v2  }
0xba: {  	v10 =	vperm.xlane v10, v2;
	v9, v11, _ =	vpop (xrf1)  }
0xbb: {  	vm2 =	vgt.f32 v9, v6  }
0xbc: {  	v6 =	vsel vm2, v9, v6;
	v9 =	vsel vm2, v11, v10  }
0xbd: {  	(xrf1) =	vsort.dscd.msk.f32 $0xffff, v6, v9;
	_ =	sdelay $0xd  }
0xbe: {  	v6, v9, _ =	vpop (xrf1)  }
0xbf: {  	v6 =	vperm.xlane v6, v2  }
0xc0: {  	v9 =	vperm.xlane v9, v2  }
0xc1: {  	vm2 =	vge.f32 v7, v6  }
0xc2: {  	v10 =	vsel vm2, v7, v6;
	v11 =	vsel vm2, v8, v9  }
0xc3: {  	v6 =	vsel vm2, v6, v7;
	v7 =	vsel vm2, v9, v8;
	(xrf1) =	vsort.dscd.msk.f32 $0xffff, v10, v11  }
0xc4: {  	(xrf1) =	vsort.dscd.msk.f32 $0xffff, v6, v7;
	_ =	sdelay $0xc  }
0xc5: {  	v6, v7, _ =	vpop (xrf1)  }
0xc6: {  	v8, v9, _ =	vpop (xrf1)  }
0xc7: {  	(xrf0) =	vmin.scan.msk.f32 $0xffff, v8;
	_ =	sdelay $0x5  }
0xc8: {  	v10, _, _ =	vpop (xrf0)  }
0xc9: {  	v10 =	vbroadcast v10, $0xF;
	_ =	sdelay $0x1  }
0xca: {  	s30 =	sadd.s32 $0x50, s25;
	vm2 =	vgt.f32 v5, v10  }
0xcb: {  	v10 =	vor.u32 s30, v0;
	v5 =	vnsel vm2, $0xFF800000, v5  }
0xcc: {  	(xrf1) =	vsort.dscd.msk.f32 $0xffff, v5, v10;
	_ =	sdelay $0xc  }
0xcd: {  	v5 =	vperm.xlane v8, v2  }
0xce: {  	v9 =	vperm.xlane v9, v2;
	v8, v10, _ =	vpop (xrf1)  }
0xcf: {  	vm2 =	vgt.f32 v8, v5  }
0xd0: {  	v5 =	vsel vm2, v8, v5;
	v8 =	vsel vm2, v10, v9  }
0xd1: {  	(xrf1) =	vsort.dscd.msk.f32 $0xffff, v5, v8;
	_ =	sdelay $0xd  }
0xd2: {  	v5, v8, _ =	vpop (xrf1)  }
0xd3: {  	v5 =	vperm.xlane v5, v2  }
0xd4: {  	v8 =	vperm.xlane v8, v2  }
0xd5: {  	vm2 =	vge.f32 v6, v5  }
0xd6: {  	v9 =	vsel vm2, v6, v5;
	v10 =	vsel vm2, v7, v8  }
0xd7: {  	v5 =	vsel vm2, v5, v6;
	v6 =	vsel vm2, v8, v7;
	(xrf1) =	vsort.dscd.msk.f32 $0xffff, v9, v10  }
0xd8: {  	(xrf1) =	vsort.dscd.msk.f32 $0xffff, v5, v6;
	_ =	sdelay $0xc  }
0xd9: {  	v5, v6, _ =	vpop (xrf1)  }
0xda: {  	v7, v8, _ =	vpop (xrf1)  }
0xdb: {  	(xrf0) =	vmin.scan.msk.f32 $0xffff, v7;
	_ =	sdelay $0x5  }
0xdc: {  	v9, _, _ =	vpop (xrf0)  }
0xdd: {  	v9 =	vbroadcast v9, $0xF;
	_ =	sdelay $0x1  }
0xde: {  	s31 =	sadd.s32 $0x60, s25;
	vm2 =	vgt.f32 v4, v9  }
0xdf: {  	v9 =	vor.u32 s31, v0;
	v4 =	vnsel vm2, $0xFF800000, v4  }
0xe0: {  	(xrf1) =	vsort.dscd.msk.f32 $0xffff, v4, v9;
	_ =	sdelay $0xc  }
0xe1: {  	v4 =	vperm.xlane v7, v2  }
0xe2: {  	v8 =	vperm.xlane v8, v2;
	v7, v9, _ =	vpop (xrf1)  }
0xe3: {  	vm2 =	vgt.f32 v7, v4  }
0xe4: {  	v4 =	vsel vm2, v7, v4;
	v7 =	vsel vm2, v9, v8  }
0xe5: {  	(xrf1) =	vsort.dscd.msk.f32 $0xffff, v4, v7;
	_ =	sdelay $0xd  }
0xe6: {  	v4, v7, _ =	vpop (xrf1)  }
0xe7: {  	v4 =	vperm.xlane v4, v2  }
0xe8: {  	v7 =	vperm.xlane v7, v2  }
0xe9: {  	vm2 =	vge.f32 v5, v4  }
0xea: {  	v8 =	vsel vm2, v5, v4;
	v9 =	vsel vm2, v6, v7  }
0xeb: {  	v4 =	vsel vm2, v4, v5;
	v5 =	vsel vm2, v7, v6;
	(xrf1) =	vsort.dscd.msk.f32 $0xffff, v8, v9  }
0xec: {  	(xrf1) =	vsort.dscd.msk.f32 $0xffff, v4, v5;
	_ =	sdelay $0xc  }
0xed: {  	v4, v5, _ =	vpop (xrf1)  }
0xee: {  	v6, v7, _ =	vpop (xrf1)  }
0xef: {  	(xrf0) =	vmin.scan.msk.f32 $0xffff, v6;
	_ =	sdelay $0x5  }
0xf0: {  	v8, _, _ =	vpop (xrf0)  }
0xf1: {  	v8 =	vbroadcast v8, $0xF;
	_ =	sdelay $0x1  }
0xf2: {  	s20 =	sadd.s32 $0x70, s25;
	vm2 =	vgt.f32 v3, v8  }
0xf3: {  	v8 =	vor.u32 s20, v0;
	v3 =	vnsel vm2, $0xFF800000, v3  }
0xf4: {  	(xrf1) =	vsort.dscd.msk.f32 $0xffff, v3, v8;
	_ =	sdelay $0xc  }
0xf5: {  	v3 =	vperm.xlane v6, v2  }
0xf6: {  	v7 =	vperm.xlane v7, v2;
	v6, v8, _ =	vpop (xrf1)  }
0xf7: {  	vm2 =	vgt.f32 v6, v3  }
0xf8: {  	v3 =	vsel vm2, v6, v3;
	v6 =	vsel vm2, v8, v7  }
0xf9: {  	(xrf1) =	vsort.dscd.msk.f32 $0xffff, v3, v6;
	_ =	sdelay $0xd  }
0xfa: {  	v3, v6, _ =	vpop (xrf1)  }
0xfb: {  	v3 =	vperm.xlane v3, v2  }
0xfc: {  	v6 =	vperm.xlane v6, v2  }
0xfd: {  	vm2 =	vge.f32 v4, v3  }
0xfe: {  	v7 =	vsel vm2, v4, v3;
	v8 =	vsel vm2, v5, v6  }
0xff: {  	v3 =	vsel vm2, v3, v4;
	v4 =	vsel vm2, v6, v5;
	(xrf1) =	vsort.dscd.msk.f32 $0xffff, v7, v8  }
0x100: {  	(xrf1) =	vsort.dscd.msk.f32 $0xffff, v3, v4;
	_ =	sdelay $0xc  }
0x101: {  	v9, v10, _ =	vpop (xrf1)  }
0x102: {  	v7, v12, _ =	vpop (xrf1)  }
0x103: {  	(xrf0) =	vmin.scan.msk.f32 $0xffff, v7;
	_ =	sdelay $0x5  }
0x104: {  	v3, _, _ =	vpop (xrf0)  }
0x105: {  	(v2sf) =	vpush v3, $0xF;
	_ =	sdelay $0xa  }
.Ltmp7:
0x106: {  	_ = 	snop;
	(pc) =	sbr.rel .LBB2_5-.Ltmp7, $2  }
0x107: {  	_ =	sdelay $0x2  }
0x108: {  	s20 =	spop (v2sf)  }
.LBB2_8:
0x109: {  	_ =	sfence.sel $0x180000  }
0x10a: {  	[bflag:$0x0] =	sbarrier.arrive $0xFFFF  }
0x10b: {  	p0 =	sne.s32 s3, $0x0;
	_ =	strace $0x90000047  }
0x10c: {  	s0 =	sadd.s32 @!p0 $0x100000, s0;
	[bflag:$0x2] =	sbarrier.arrive $0xFFFF  }
0x10d: {  	[sflag:s0] =	ssyncadd.tile.s32 @!p0 $0x1;
	_ =	shalt  }
.Lfunc_end2:
_tile_overlayer_lowered:
.L_overlay_start_2:
0x10e: {  	(tag) =	ssettag $0x2  }
0x10f: {  	s0 =	rddreg [dreg:$0x0];
	s2 =	stileid.u32  }
0x110: {  	s1 =	rddreg [dreg:$0x1];
	p0 =	sne.s32 s2, $0x0  }
0x111: {  	s3 =	rddreg [dreg:$0x2];
	[bflag:$0x3] =	sbarrier.arrive $0xFFFF;
	s2 =	simm.s32 @!p0 $0x1C02  }
0x112: {  	[timem:s3], [sflag:s2] =	dma.local @!p0 [hbm:s0], s1  }
0x113: {  	s0 =	simm.s32 @!p0 $0x2  }
0x114: {  	_ =	swait.ge @!p0 [sflag:s0], s1  }
0x115: {  	s1 =	ssub.s32 @!p0 $0x0, s1;
	[sflag:s0] =	ssyncset.done @!p0 $0x0  }
0x116: {  	[sflag:s0] =	ssyncadd.s32 @!p0 s1  }
0x117: {  	[bflag:$0x3] =	sbarrier.arrive $0xFFFF  }
0x118: {  	_ =	shalt  }

</sc_bundles>
